<compile_context>
chip_gen: v7x
topology: tpu7x:2x2x1
jax: 0.10.2.dev20260603
libtpu: 0.0.44.dev20260713+nightly
codegen_flags: <defaults>
</compile_context>

<pallas_src>
import functools

import jax
import jax.numpy as jnp
from jax.experimental import pallas as pl
from jax.experimental.pallas import tpu as pltpu
from jax.experimental.pallas import tpu_sc as plsc

RATIO = 0.5



def _select_body(s_ref, srow_ref, h_ref, rank_ref, idx_ref, idx2e_ref,
                 newh_ref, *, e):
    n, d = h_ref.shape
    k = idx_ref.shape[0]
    cb = 512

    scol = s_ref[...]
    srow = srow_ref[...]

    for c in range(n // cb):
        si = srow[:, c * cb:(c + 1) * cb]
        ii = c * cb + jax.lax.broadcasted_iota(jnp.int32, (n, cb), 1)
        jj = jax.lax.broadcasted_iota(jnp.int32, (n, cb), 0)
        beats = (scol > si) | ((scol == si) & (jj < ii))
        rank_ref[:, c * cb:(c + 1) * cb] = jnp.sum(
            beats.astype(jnp.int32), axis=0, keepdims=True)

    rank_row = rank_ref[...]

    for c in range(k // cb):
        pp = c * cb + jax.lax.broadcasted_iota(jnp.int32, (cb, n), 0)
        jj = jax.lax.broadcasted_iota(jnp.int32, (cb, n), 1)
        val = jnp.sum(jnp.where(rank_row == pp, jj, 0), axis=1, keepdims=True)
        idx_ref[c * cb:(c + 1) * cb, :] = val

    idx = idx_ref[...]
    idx2e_ref[pl.ds(0, k), :] = idx
    idx2e_ref[pl.ds(k, k), :] = idx + e

    p_f = (rank_row == jax.lax.broadcasted_iota(jnp.int32, (k, n), 0)
           ).astype(jnp.float32)
    vals = jax.lax.dot_general(p_f, scol, (((1,), (0,)), ((), ())),
                               precision=jax.lax.Precision.HIGHEST,
                               preferred_element_type=jnp.float32)
    hk = jax.lax.dot_general(p_f, h_ref[...], (((1,), (0,)), ((), ())),
                             precision=jax.lax.Precision.HIGHEST,
                             preferred_element_type=jnp.float32)
    newh_ref[...] = hk * vals


def _select(s, srow, h, k, e, interpret=False):
    n, d = h.shape
    body = functools.partial(_select_body, e=e)
    return pl.pallas_call(
        body,
        out_shape=(
            jax.ShapeDtypeStruct((1, n), jnp.int32),
            jax.ShapeDtypeStruct((k, 1), jnp.int32),
            jax.ShapeDtypeStruct((2 * k, 1), jnp.int32),
            jax.ShapeDtypeStruct((k, d), jnp.float32),
        ),
        interpret=interpret,
    )(s, srow, h)



def _adj_scatter(edge_flat, n, e):
    nn = n * n
    half = nn // 2
    mesh = plsc.VectorSubcoreMesh(core_axis_name="c", subcore_axis_name="s")
    per_tile = e // 16
    quarter = nn // 4
    zwords = 16384
    zchunks = quarter // 16 // zwords
    n_scat = per_tile // 128
    spad = 4096

    @functools.partial(
        pl.kernel,
        out_type=jax.ShapeDtypeStruct((nn,), jnp.float32),
        mesh=mesh,
        scratch_types=[
            pltpu.VMEM_SHARED((quarter + spad,), jnp.float32),
            pltpu.VMEM((zwords,), jnp.float32),
            pltpu.VMEM((per_tile,), jnp.int32),
            pltpu.VMEM((per_tile,), jnp.int32),
            pltpu.VMEM((per_tile // 128, 128), jnp.int32),
            pltpu.VMEM((128,), jnp.float32),
            pltpu.SemaphoreType.DMA,
            pltpu.SemaphoreType.DMA,
            pltpu.SemaphoreType.DMA,
            pltpu.SemaphoreType.DMA,
        ],
    )
    def adj_kernel(ef_hbm, gb_hbm, stage, zbuf, rbuf, cbuf, flbuf, ones_v,
                   zsem, esem, ssem, wsem):
        cid = jax.lax.axis_index("c")
        sid = jax.lax.axis_index("s")
        wid = sid * 2 + cid

        ecopies = [
            pltpu.async_copy(ef_hbm.at[pl.ds(sid * per_tile, per_tile)],
                             rbuf, esem),
            pltpu.async_copy(ef_hbm.at[pl.ds(e + sid * per_tile, per_tile)],
                             cbuf, esem),
        ]

        @pl.loop(0, zwords, step=16)
        def _(i):
            zbuf[pl.ds(i, 16)] = jnp.zeros((16,), jnp.float32)

        @pl.loop(0, 128, step=16)
        def _(i):
            ones_v[pl.ds(i, 16)] = jnp.full((16,), 1.0, jnp.float32)

        for c in ecopies:
            c.wait()

        tile_words = quarter // 16
        for q in range(2):
            region_lo = cid * half + q * quarter

            zcopies = [
                pltpu.async_copy(
                    zbuf,
                    stage.at[pl.ds(sid * tile_words + z * zwords, zwords)],
                    zsem)
                for z in range(zchunks)
            ]

            @pl.loop(0, per_tile // 16)
            def _(i):
                rv = rbuf[pl.ds(i * 16, 16)]
                cv = cbuf[pl.ds(i * 16, 16)]
                fl = rv * n + cv - region_lo
                mine = (fl >= 0) & (fl < quarter)
                dummy = quarter + ((wid * per_tile + i * 16
                                    + jax.lax.iota(jnp.int32, 16))
                                   & (spad - 1))
                fl2 = jnp.where(mine, fl, dummy)
                flbuf[i // 8, pl.ds((i % 8) * 16, 16)] = fl2

            for c in zcopies:
                c.wait()
            plsc.subcore_barrier()

            scopies = [
                pltpu.async_copy(ones_v, stage.at[flbuf.at[j]], ssem,
                                 add=True)
                for j in range(n_scat)
            ]
            for c in scopies:
                c.wait()
            plsc.subcore_barrier()

            pltpu.async_copy(
                stage.at[pl.ds(sid * tile_words, tile_words)],
                gb_hbm.at[pl.ds(region_lo + sid * tile_words, tile_words)],
                wsem).wait()
            plsc.subcore_barrier()

    return adj_kernel(edge_flat)



def _edge_gather(edge_flat, idx2e, k):
    mesh = plsc.VectorSubcoreMesh(core_axis_name="c", subcore_axis_name="s")
    n_workers = 32
    per_tile = (2 * k) // n_workers

    @functools.partial(
        pl.kernel,
        out_type=jax.ShapeDtypeStruct((2 * k,), jnp.int32),
        mesh=mesh,
        scratch_types=[
            pltpu.VMEM((per_tile,), jnp.int32),
            pltpu.VMEM((per_tile,), jnp.int32),
            pltpu.SemaphoreType.DMA,
        ],
    )
    def gather_kernel(ef_hbm, i_hbm, out_hbm, iv, ov, sem):
        cid = jax.lax.axis_index("c")
        sid = jax.lax.axis_index("s")
        wid = sid * 2 + cid
        base = wid * per_tile
        pltpu.sync_copy(i_hbm.at[pl.ds(base, per_tile)], iv)
        pltpu.async_copy(ef_hbm.at[iv], ov, sem).wait()
        pltpu.sync_copy(ov, out_hbm.at[pl.ds(base, per_tile)])

    return gather_kernel(edge_flat, idx2e)



def _power_body(gb_ref, rrow_ref, rcol_ref, out_ref, gbq, gbsel, *, blk, mmt):
    n = gbq.shape[0]
    k = gbsel.shape[1]
    i = pl.program_id(0)

    @pl.when(i == 0)
    def _():
        gbq[...] = (gb_ref[...] != 0).astype(mmt)
        qq = jax.lax.broadcasted_iota(jnp.int32, (n, k), 1)
        ptb = (rcol_ref[...] == qq).astype(mmt)
        sel = jax.lax.dot_general(gbq[...], ptb, (((1,), (0,)), ((), ())),
                                  preferred_element_type=jnp.float32)
        gbsel[...] = (sel != 0).astype(mmt)

    rank_row = rrow_ref[...]
    pp = blk * i + jax.lax.broadcasted_iota(jnp.int32, (blk, n), 0)
    p_blk = (rank_row == pp).astype(mmt)

    l1 = jax.lax.dot_general(p_blk, gbq[...], (((1,), (0,)), ((), ())),
                             preferred_element_type=jnp.float32)
    b1 = (l1 != 0).astype(mmt)
    l2 = jax.lax.dot_general(b1, gbq[...], (((1,), (0,)), ((), ())),
                             preferred_element_type=jnp.float32)
    b2 = (l2 != 0).astype(mmt)
    l3 = jax.lax.dot_general(b2, gbsel[...], (((1,), (0,)), ((), ())),
                             preferred_element_type=jnp.float32)
    un = (l3 != 0).astype(jnp.float32)
    rs = jnp.sum(un, axis=1, keepdims=True)
    out_ref[...] = un / (rs + 1e-8)


def _power_norm(gb_flat, rank_row, rank_col, k, interpret=False,
                mmt=jnp.float8_e4m3fn):
    n = rank_row.shape[1]
    blk = 512
    body = functools.partial(_power_body, blk=blk, mmt=mmt)
    return pl.pallas_call(
        body,
        grid=(k // blk,),
        out_shape=jax.ShapeDtypeStruct((k, k), jnp.float32),
        in_specs=[
            pl.BlockSpec((n, n), lambda i: (0, 0)),
            pl.BlockSpec((1, n), lambda i: (0, 0)),
            pl.BlockSpec((n, 1), lambda i: (0, 0)),
        ],
        out_specs=pl.BlockSpec((blk, k), lambda i: (i, 0)),
        scratch_shapes=[
            pltpu.VMEM((n, n), mmt),
            pltpu.VMEM((n, k), mmt),
        ],
        interpret=interpret,
    )(gb_flat, rank_row, rank_col)



def kernel(edge_index, h, C, Wf, bf, Ws, bs, Wo, bo):
    n, d = h.shape
    e = edge_index.shape[1]
    k = max(2, int(RATIO * n))

    feature_weights = h @ Wf + bf
    structure_weights = C @ Ws + bs
    weights = (jnp.concatenate([feature_weights, structure_weights], axis=1)
               @ Wo + bo).squeeze()
    s = jax.nn.sigmoid(weights).reshape(n, 1)

    rank_row, idx, idx2e, new_h = _select(s, s.T, h, k, e)

    edge_flat = edge_index.reshape(2 * e)
    gb_flat = _adj_scatter(edge_flat, n, e)
    new_edge_flat = _edge_gather(edge_flat, idx2e.reshape(2 * k), k)

    g_out = _power_norm(gb_flat.reshape(n, n), rank_row, rank_row.T, k)

    return (g_out, new_h, idx.reshape(k), new_edge_flat.reshape(2, k))

# --- scband reference (transcript-rebuilt; emitter-appended) ---
"""Pipeline reference for scband-pool-46935402611104 (READ-ONLY COPY).

The authoritative reference and input builder live on the scoring server;
editing this copy changes nothing except your own understanding.
"""

import jax, jax.numpy as jnp
import numpy as np

N = 2048
E = 32768
D = 128
RATIO = 0.5


def setup_inputs(seed: int = 0) -> dict:
    key = jax.random.key(seed)
    ks = jax.random.split(key, 8)
    edge_index = jax.random.randint(ks[0], (2, E), 0, N, dtype=jnp.int64 if jax.config.jax_enable_x64 else jnp.int32)
    h = jax.random.normal(ks[1], (N, D), dtype=jnp.float32)
    # Centrality features (closeness, degree, betweenness, load, subgraph, harmonic)
    # are host-side networkx computations in the original module; they are
    # precomputed/approximated here as a [N, 6] float input.
    C = jax.random.uniform(ks[2], (N, 6), dtype=jnp.float32)
    Wf = jax.random.normal(ks[3], (D, 1), dtype=jnp.float32) * (1.0 / np.sqrt(D))
    bf = jnp.zeros((1,), dtype=jnp.float32)
    Ws = jax.random.normal(ks[4], (6, 1), dtype=jnp.float32) * (1.0 / np.sqrt(6.0))
    bs = jnp.zeros((1,), dtype=jnp.float32)
    Wo = jax.random.normal(ks[5], (2, 1), dtype=jnp.float32) * (1.0 / np.sqrt(2.0))
    bo = jnp.zeros((1,), dtype=jnp.float32)
    return {"edge_index": edge_index, "h": h, "C": C, "Wf": Wf, "bf": bf,
            "Ws": Ws, "bs": bs, "Wo": Wo, "bo": bo}


def reference(edge_index, h, C, Wf, bf, Ws, bs, Wo, bo):
    num_nodes = h.shape[0]
    # dropout p=0.0 -> identity
    Z = h
    feature_weights = Z @ Wf + bf            # [N, 1]
    structure_weights = C @ Ws + bs          # [N, 1]
    weights = (jnp.concatenate([feature_weights, structure_weights], axis=1) @ Wo + bo).squeeze()
    scores = jax.nn.sigmoid(weights)         # [N]
    k = max(2, int(RATIO * num_nodes))
    values, idx = jax.lax.top_k(scores, k)
    new_h = h[idx, :] * values[:, None]
    # dense adjacency + 3-hop connectivity, as in the original
    g = jnp.zeros((num_nodes, num_nodes), dtype=jnp.float32).at[edge_index[0], edge_index[1]].set(1.0)
    gb = (g != 0).astype(jnp.float32)
    un_g = ((gb @ (gb @ gb)) != 0).astype(jnp.float32)
    un_g = un_g[idx, :][:, idx]
    g_out = un_g / (un_g.sum(1, keepdims=True) + 1e-8)
    new_edge_index = edge_index[:, idx]
    return (g_out, new_h, idx, new_edge_index)

if __name__ == "__main__":
    import jax
    _d = setup_inputs()
    print(jax.jit(kernel)(*tuple(_d.values())))

</pallas_src>

<mosaic_0001>
#map = affine_map<(d0, d1) -> (0)>
module attributes {stable_mosaic.version = 14 : i64} {
  func.func @adj_kernel(%arg0: i32, %arg1: i32, %arg2: memref<65536xi32, #tpu.memory_space<hbm>>, %arg3: memref<4194304xf32, #tpu.memory_space<hbm>>, %arg4: memref<1052672xf32, #tpu.memory_space<vmem_shared>>, %arg5: memref<16384xf32, #tpu.memory_space<vmem>>, %arg6: memref<2048xi32, #tpu.memory_space<vmem>>, %arg7: memref<2048xi32, #tpu.memory_space<vmem>>, %arg8: memref<16x128xi32, #tpu.memory_space<vmem>>, %arg9: memref<128xf32, #tpu.memory_space<vmem>>, %arg10: memref<!tpu.dma_semaphore, #tpu.memory_space<semaphore_mem>>, %arg11: memref<!tpu.dma_semaphore, #tpu.memory_space<semaphore_mem>>, %arg12: memref<!tpu.dma_semaphore, #tpu.memory_space<semaphore_mem>>, %arg13: memref<!tpu.dma_semaphore, #tpu.memory_space<semaphore_mem>>) attributes {dimension_semantics = [#tpu.dimension_semantics<core_parallel>, #tpu.dimension_semantics<subcore_parallel>], iteration_bounds = array<i64: 2, 16>, scalar_prefetch = 0 : i64, scratch_operands = 10 : i64, tpu.core_type = #tpu.core_type<sc_vector_subcore>, window_params = [{transform_indices = #map}, {transform_indices = #map}]} {
    %mul3A = arith.constant 2 : i32
    %mul3A_0 = arith.muli %arg1, %mul3A : i32
    %add3A = arith.addi %mul3A_0, %arg0 : i32
    %mul3A_1 = arith.constant 2048 : i32
    %mul3A_2 = arith.muli %arg1, %mul3A_1 : i32
    %dma_start3A = tpu.memref_slice %arg2[%mul3A_2] : memref<65536xi32, #tpu.memory_space<hbm>> -> memref<2048xi32, #tpu.memory_space<hbm>>
    %dma_start3A_3 = tpu.memref_slice %arg2[%mul3A_2] : memref<65536xi32, #tpu.memory_space<hbm>> -> memref<2048xi32, #tpu.memory_space<hbm>>
    tpu.enqueue_dma source(%dma_start3A_3 : memref<2048xi32, #tpu.memory_space<hbm>>) target(%arg6 : memref<2048xi32, #tpu.memory_space<vmem>>) target_semaphore(%arg11 : memref<!tpu.dma_semaphore, #tpu.memory_space<semaphore_mem>>)
    %mul3A_4 = arith.constant 2048 : i32
    %mul3A_5 = arith.muli %arg1, %mul3A_4 : i32
    %add3A_6 = arith.constant 32768 : i32
    %add3A_7 = arith.addi %add3A_6, %mul3A_5 : i32
    %dma_start3A_8 = tpu.memref_slice %arg2[%add3A_7] : memref<65536xi32, #tpu.memory_space<hbm>> -> memref<2048xi32, #tpu.memory_space<hbm>>
    %dma_start3A_9 = tpu.memref_slice %arg2[%add3A_7] : memref<65536xi32, #tpu.memory_space<hbm>> -> memref<2048xi32, #tpu.memory_space<hbm>>
    tpu.enqueue_dma source(%dma_start3A_9 : memref<2048xi32, #tpu.memory_space<hbm>>) target(%arg7 : memref<2048xi32, #tpu.memory_space<vmem>>) target_semaphore(%arg11 : memref<!tpu.dma_semaphore, #tpu.memory_space<semaphore_mem>>)
    %scan3A = arith.constant 0 : i32
    %scan3A_10 = arith.constant 1024 : i32
    %scan3A_11 = arith.addi %scan3A, %scan3A_10 : i32
    %scan3A_12 = arith.constant 1 : i32
    scf.for %scan3A_511 = %scan3A to %scan3A_11 step %scan3A_12  : i32 {
      %mul3A_512 = arith.constant 16 : i32
      %mul3A_513 = arith.muli %scan3A_511, %mul3A_512 : i32
      %add3A_514 = arith.constant 0 : i32
      %add3A_515 = arith.addi %add3A_514, %mul3A_513 : i32
      %broadcast_in_dim3A = arith.constant 0.000000e+00 : f32
      %broadcast_in_dim3A_516 = vector.broadcast %broadcast_in_dim3A : f32 to vector<16xf32>
      %swap3A = arith.index_cast %add3A_515 : i32 to index
      %swap3A_517 = tpu.vector_load %arg5[%swap3A] {strides = array<i32>} : memref<16384xf32, #tpu.memory_space<vmem>>, vector<16xf32>,
      %swap3A_518 = vector.shape_cast %swap3A_517 : vector<16xf32> to vector<16xf32>
      %swap3A_519 = vector.shape_cast %broadcast_in_dim3A_516 : vector<16xf32> to vector<16xf32>
      tpu.vector_store %arg5[%swap3A], %swap3A_519 {strides = array<i32>} : memref<16384xf32, #tpu.memory_space<vmem>>, vector<16xf32>,
    }
    %scan3A_13 = arith.constant 1024 : i32
    %scan3A_14 = arith.constant 0 : i32
    %scan3A_15 = arith.constant 8 : i32
    %scan3A_16 = arith.addi %scan3A_14, %scan3A_15 : i32
    %scan3A_17 = arith.constant 1 : i32
    scf.for %scan3A_511 = %scan3A_14 to %scan3A_16 step %scan3A_17  : i32 {
      %mul3A_512 = arith.constant 16 : i32
      %mul3A_513 = arith.muli %scan3A_511, %mul3A_512 : i32
      %add3A_514 = arith.constant 0 : i32
      %add3A_515 = arith.addi %add3A_514, %mul3A_513 : i32
      %broadcast_in_dim3A = arith.constant 1.000000e+00 : f32
      %broadcast_in_dim3A_516 = vector.broadcast %broadcast_in_dim3A : f32 to vector<16xf32>
      %swap3A = arith.index_cast %add3A_515 : i32 to index
      %swap3A_517 = tpu.vector_load %arg9[%swap3A] {strides = array<i32>} : memref<128xf32, #tpu.memory_space<vmem>>, vector<16xf32>,
      %swap3A_518 = vector.shape_cast %swap3A_517 : vector<16xf32> to vector<16xf32>
      %swap3A_519 = vector.shape_cast %broadcast_in_dim3A_516 : vector<16xf32> to vector<16xf32>
      tpu.vector_store %arg9[%swap3A], %swap3A_519 {strides = array<i32>} : memref<128xf32, #tpu.memory_space<vmem>>, vector<16xf32>,
    }
    %scan3A_18 = arith.constant 8 : i32
    %dma_wait3A = tpu.memref_slice %arg2[%mul3A_2] : memref<65536xi32, #tpu.memory_space<hbm>> -> memref<2048xi32, #tpu.memory_space<hbm>>
    %dma_wait3A_19 = tpu.memref_slice %arg2[%mul3A_2] : memref<65536xi32, #tpu.memory_space<hbm>> -> memref<2048xi32, #tpu.memory_space<hbm>>
    tpu.wait_dma2 semaphore(%arg11 : memref<!tpu.dma_semaphore, #tpu.memory_space<semaphore_mem>>) src(%dma_wait3A_19 : memref<2048xi32, #tpu.memory_space<hbm>>) dst(%arg6 : memref<2048xi32, #tpu.memory_space<vmem>>)
    %dma_wait3A_20 = tpu.memref_slice %arg2[%add3A_7] : memref<65536xi32, #tpu.memory_space<hbm>> -> memref<2048xi32, #tpu.memory_space<hbm>>
    %dma_wait3A_21 = tpu.memref_slice %arg2[%add3A_7] : memref<65536xi32, #tpu.memory_space<hbm>> -> memref<2048xi32, #tpu.memory_space<hbm>>
    tpu.wait_dma2 semaphore(%arg11 : memref<!tpu.dma_semaphore, #tpu.memory_space<semaphore_mem>>) src(%dma_wait3A_21 : memref<2048xi32, #tpu.memory_space<hbm>>) dst(%arg7 : memref<2048xi32, #tpu.memory_space<vmem>>)
    %mul3A_22 = arith.constant 2097152 : i32
    %mul3A_23 = arith.muli %arg0, %mul3A_22 : i32
    %add3A_24 = arith.constant 0 : i32
    %add3A_25 = arith.addi %mul3A_23, %add3A_24 : i32
    %mul3A_26 = arith.constant 65536 : i32
    %mul3A_27 = arith.muli %arg1, %mul3A_26 : i32
    %add3A_28 = arith.constant 0 : i32
    %add3A_29 = arith.addi %mul3A_27, %add3A_28 : i32
    %dma_start3A_30 = tpu.memref_slice %arg4[%add3A_29] : memref<1052672xf32, #tpu.memory_space<vmem_shared>> -> memref<16384xf32, #tpu.memory_space<vmem_shared>>
    %dma_start3A_31 = tpu.memref_slice %arg4[%add3A_29] : memref<1052672xf32, #tpu.memory_space<vmem_shared>> -> memref<16384xf32, #tpu.memory_space<vmem_shared>>
    tpu.enqueue_dma source(%arg5 : memref<16384xf32, #tpu.memory_space<vmem>>) target(%dma_start3A_31 : memref<16384xf32, #tpu.memory_space<vmem_shared>>) target_semaphore(%arg10 : memref<!tpu.dma_semaphore, #tpu.memory_space<semaphore_mem>>)
    %mul3A_32 = arith.constant 65536 : i32
    %mul3A_33 = arith.muli %arg1, %mul3A_32 : i32
    %add3A_34 = arith.constant 16384 : i32
    %add3A_35 = arith.addi %mul3A_33, %add3A_34 : i32
    %dma_start3A_36 = tpu.memref_slice %arg4[%add3A_35] : memref<1052672xf32, #tpu.memory_space<vmem_shared>> -> memref<16384xf32, #tpu.memory_space<vmem_shared>>
    %dma_start3A_37 = tpu.memref_slice %arg4[%add3A_35] : memref<1052672xf32, #tpu.memory_space<vmem_shared>> -> memref<16384xf32, #tpu.memory_space<vmem_shared>>
    tpu.enqueue_dma source(%arg5 : memref<16384xf32, #tpu.memory_space<vmem>>) target(%dma_start3A_37 : memref<16384xf32, #tpu.memory_space<vmem_shared>>) target_semaphore(%arg10 : memref<!tpu.dma_semaphore, #tpu.memory_space<semaphore_mem>>)
    %mul3A_38 = arith.constant 65536 : i32
    %mul3A_39 = arith.muli %arg1, %mul3A_38 : i32
    %add3A_40 = arith.constant 32768 : i32
    %add3A_41 = arith.addi %mul3A_39, %add3A_40 : i32
    %dma_start3A_42 = tpu.memref_slice %arg4[%add3A_41] : memref<1052672xf32, #tpu.memory_space<vmem_shared>> -> memref<16384xf32, #tpu.memory_space<vmem_shared>>
    %dma_start3A_43 = tpu.memref_slice %arg4[%add3A_41] : memref<1052672xf32, #tpu.memory_space<vmem_shared>> -> memref<16384xf32, #tpu.memory_space<vmem_shared>>
    tpu.enqueue_dma source(%arg5 : memref<16384xf32, #tpu.memory_space<vmem>>) target(%dma_start3A_43 : memref<16384xf32, #tpu.memory_space<vmem_shared>>) target_semaphore(%arg10 : memref<!tpu.dma_semaphore, #tpu.memory_space<semaphore_mem>>)
    %mul3A_44 = arith.constant 65536 : i32
    %mul3A_45 = arith.muli %arg1, %mul3A_44 : i32
    %add3A_46 = arith.constant 49152 : i32
    %add3A_47 = arith.addi %mul3A_45, %add3A_46 : i32
    %dma_start3A_48 = tpu.memref_slice %arg4[%add3A_47] : memref<1052672xf32, #tpu.memory_space<vmem_shared>> -> memref<16384xf32, #tpu.memory_space<vmem_shared>>
    %dma_start3A_49 = tpu.memref_slice %arg4[%add3A_47] : memref<1052672xf32, #tpu.memory_space<vmem_shared>> -> memref<16384xf32, #tpu.memory_space<vmem_shared>>
    tpu.enqueue_dma source(%arg5 : memref<16384xf32, #tpu.memory_space<vmem>>) target(%dma_start3A_49 : memref<16384xf32, #tpu.memory_space<vmem_shared>>) target_semaphore(%arg10 : memref<!tpu.dma_semaphore, #tpu.memory_space<semaphore_mem>>)
    %scan3A_50 = arith.constant 0 : i32
    %scan3A_51 = arith.constant 128 : i32
    %scan3A_52 = arith.addi %scan3A_50, %scan3A_51 : i32
    %scan3A_53 = arith.constant 1 : i32
    scf.for %scan3A_511 = %scan3A_50 to %scan3A_52 step %scan3A_53  : i32 {
      %mul3A_512 = arith.constant 1 : i32
      %mul3A_513 = arith.muli %scan3A_511, %mul3A_512 : i32
      %add3A_514 = arith.constant 0 : i32
      %add3A_515 = arith.addi %add3A_514, %mul3A_513 : i32
      %mul3A_516 = arith.constant 16 : i32
      %mul3A_517 = arith.muli %add3A_515, %mul3A_516 : i32
      %get3A = arith.index_cast %mul3A_517 : i32 to index
      %get3A_518 = tpu.vector_load %arg6[%get3A] {strides = array<i32>} : memref<2048xi32, #tpu.memory_space<vmem>>, vector<16xi32>,
      %get3A_519 = vector.shape_cast %get3A_518 : vector<16xi32> to vector<16xi32>
      %mul3A_520 = arith.constant 16 : i32
      %mul3A_521 = arith.muli %add3A_515, %mul3A_520 : i32
      %get3A_522 = arith.index_cast %mul3A_521 : i32 to index
      %get3A_523 = tpu.vector_load %arg7[%get3A_522] {strides = array<i32>} : memref<2048xi32, #tpu.memory_space<vmem>>, vector<16xi32>,
      %get3A_524 = vector.shape_cast %get3A_523 : vector<16xi32> to vector<16xi32>
      %mul3A_525 = arith.constant 2048 : i32
      %mul3A_526 = vector.broadcast %mul3A_525 : i32 to vector<16xi32>
      %mul3A_527 = arith.muli %get3A_519, %mul3A_526 : vector<16xi32>
      %add3A_528 = arith.addi %mul3A_527, %get3A_524 : vector<16xi32>
      %sub3A = vector.broadcast %add3A_25 : i32 to vector<16xi32>
      %sub3A_529 = arith.subi %add3A_528, %sub3A : vector<16xi32>
      %ge3A = arith.constant 0 : i32
      %ge3A_530 = vector.broadcast %ge3A : i32 to vector<16xi32>
      %ge3A_531 = arith.cmpi sge, %sub3A_529, %ge3A_530 : vector<16xi32>
      %lt3A = arith.constant 1048576 : i32
      %lt3A_532 = vector.broadcast %lt3A : i32 to vector<16xi32>
      %lt3A_533 = arith.cmpi slt, %sub3A_529, %lt3A_532 : vector<16xi32>
      %and3A = arith.andi %ge3A_531, %lt3A_533 : vector<16xi1>
      %mul3A_534 = arith.constant 2048 : i32
      %mul3A_535 = arith.muli %add3A, %mul3A_534 : i32
      %mul3A_536 = arith.constant 16 : i32
      %mul3A_537 = arith.muli %add3A_515, %mul3A_536 : i32
      %add3A_538 = arith.addi %mul3A_535, %mul3A_537 : i32
      %iota3A = tpu.iota {dimensions = array<i32: 0>} : vector<16xi32>
      %add3A_539 = vector.broadcast %add3A_538 : i32 to vector<16xi32>
      %add3A_540 = arith.addi %add3A_539, %iota3A : vector<16xi32>
      %and3A_541 = arith.constant 4095 : i32
      %and3A_542 = vector.broadcast %and3A_541 : i32 to vector<16xi32>
      %and3A_543 = arith.andi %add3A_540, %and3A_542 : vector<16xi32>
      %add3A_544 = arith.constant 1048576 : i32
      %add3A_545 = vector.broadcast %add3A_544 : i32 to vector<16xi32>
      %add3A_546 = arith.addi %add3A_545, %and3A_543 : vector<16xi32>
      %select_n3A = arith.select %and3A, %sub3A_529, %add3A_546 : vector<16xi1>, vector<16xi32>
      %jit3A = arith.constant 8 : i32
      %div3A = arith.divsi %add3A_515, %jit3A : i32
      %sign3A = arith.constant 0 : i32
      %sign3A_547 = arith.cmpi sgt, %add3A_515, %sign3A : i32
      %sign3A_548 = arith.extui %sign3A_547 : i1 to i32
      %sign3A_549 = arith.constant 0 : i32
      %sign3A_550 = arith.cmpi slt, %add3A_515, %sign3A_549 : i32
      %sign3A_551 = arith.extui %sign3A_550 : i1 to i32
      %sign3A_552 = arith.subi %sign3A_548, %sign3A_551 : i32
      %sign3A_553 = arith.constant 0 : i32
      %sign3A_554 = arith.cmpi sgt, %jit3A, %sign3A_553 : i32
      %sign3A_555 = arith.extui %sign3A_554 : i1 to i32
      %sign3A_556 = arith.constant 0 : i32
      %sign3A_557 = arith.cmpi slt, %jit3A, %sign3A_556 : i32
      %sign3A_558 = arith.extui %sign3A_557 : i1 to i32
      %sign3A_559 = arith.subi %sign3A_555, %sign3A_558 : i32
      %ne3A = arith.cmpi ne, %sign3A_552, %sign3A_559 : i32
      %rem3A = arith.remsi %add3A_515, %jit3A : i32
      %ne3A_560 = arith.constant 0 : i32
      %ne3A_561 = arith.cmpi ne, %rem3A, %ne3A_560 : i32
      %and3A_562 = arith.andi %ne3A, %ne3A_561 : i1
      %sub3A_563 = arith.constant 1 : i32
      %sub3A_564 = arith.subi %div3A, %sub3A_563 : i32
      %select_n3A_565 = arith.select %and3A_562, %sub3A_564, %div3A : i32
      %jit3A_566 = arith.constant 8 : i32
      %eq3A = arith.constant 0 : i32
      %eq3A_567 = arith.cmpi eq, %jit3A_566, %eq3A : i32
      %jit3A_568 = arith.constant 1 : i32
      %select_n3A_569 = arith.select %eq3A_567, %jit3A_568, %jit3A_566 : i32
      %rem3A_570 = arith.remsi %add3A_515, %select_n3A_569 : i32
      %ne3A_571 = arith.constant 0 : i32
      %ne3A_572 = arith.cmpi ne, %rem3A_570, %ne3A_571 : i32
      %lt3A_573 = arith.constant 0 : i32
      %lt3A_574 = arith.cmpi slt, %rem3A_570, %lt3A_573 : i32
      %lt3A_575 = arith.constant 0 : i32
      %lt3A_576 = arith.cmpi slt, %select_n3A_569, %lt3A_575 : i32
      %ne3A_577 = arith.xori %lt3A_574, %lt3A_576 : i1
      %and3A_578 = arith.andi %ne3A_577, %ne3A_572 : i1
      %add3A_579 = arith.addi %rem3A_570, %select_n3A_569 : i32
      %select_n3A_580 = arith.select %and3A_578, %add3A_579, %rem3A_570 : i32
      %mul3A_581 = arith.constant 16 : i32
      %mul3A_582 = arith.muli %select_n3A_580, %mul3A_581 : i32
      %swap3A = arith.index_cast %select_n3A_565 : i32 to index
      %swap3A_583 = arith.index_cast %mul3A_582 : i32 to index
      %swap3A_584 = tpu.vector_load %arg8[%swap3A, %swap3A_583] {strides = array<i32>} : memref<16x128xi32, #tpu.memory_space<vmem>>, vector<1x16xi32>,
      %swap3A_585 = vector.shape_cast %swap3A_584 : vector<1x16xi32> to vector<16xi32>
      %swap3A_586 = vector.shape_cast %select_n3A : vector<16xi32> to vector<1x16xi32>
      tpu.vector_store %arg8[%swap3A, %swap3A_583], %swap3A_586 {strides = array<i32>} : memref<16x128xi32, #tpu.memory_space<vmem>>, vector<1x16xi32>,
    }
    %scan3A_54 = arith.constant 128 : i32
    %dma_wait3A_55 = tpu.memref_slice %arg4[%add3A_29] : memref<1052672xf32, #tpu.memory_space<vmem_shared>> -> memref<16384xf32, #tpu.memory_space<vmem_shared>>
    %dma_wait3A_56 = tpu.memref_slice %arg4[%add3A_29] : memref<1052672xf32, #tpu.memory_space<vmem_shared>> -> memref<16384xf32, #tpu.memory_space<vmem_shared>>
    tpu.wait_dma2 semaphore(%arg10 : memref<!tpu.dma_semaphore, #tpu.memory_space<semaphore_mem>>) src(%arg5 : memref<16384xf32, #tpu.memory_space<vmem>>) dst(%dma_wait3A_56 : memref<16384xf32, #tpu.memory_space<vmem_shared>>)
    %dma_wait3A_57 = tpu.memref_slice %arg4[%add3A_35] : memref<1052672xf32, #tpu.memory_space<vmem_shared>> -> memref<16384xf32, #tpu.memory_space<vmem_shared>>
    %dma_wait3A_58 = tpu.memref_slice %arg4[%add3A_35] : memref<1052672xf32, #tpu.memory_space<vmem_shared>> -> memref<16384xf32, #tpu.memory_space<vmem_shared>>
    tpu.wait_dma2 semaphore(%arg10 : memref<!tpu.dma_semaphore, #tpu.memory_space<semaphore_mem>>) src(%arg5 : memref<16384xf32, #tpu.memory_space<vmem>>) dst(%dma_wait3A_58 : memref<16384xf32, #tpu.memory_space<vmem_shared>>)
    %dma_wait3A_59 = tpu.memref_slice %arg4[%add3A_41] : memref<1052672xf32, #tpu.memory_space<vmem_shared>> -> memref<16384xf32, #tpu.memory_space<vmem_shared>>
    %dma_wait3A_60 = tpu.memref_slice %arg4[%add3A_41] : memref<1052672xf32, #tpu.memory_space<vmem_shared>> -> memref<16384xf32, #tpu.memory_space<vmem_shared>>
    tpu.wait_dma2 semaphore(%arg10 : memref<!tpu.dma_semaphore, #tpu.memory_space<semaphore_mem>>) src(%arg5 : memref<16384xf32, #tpu.memory_space<vmem>>) dst(%dma_wait3A_60 : memref<16384xf32, #tpu.memory_space<vmem_shared>>)
    %dma_wait3A_61 = tpu.memref_slice %arg4[%add3A_47] : memref<1052672xf32, #tpu.memory_space<vmem_shared>> -> memref<16384xf32, #tpu.memory_space<vmem_shared>>
    %dma_wait3A_62 = tpu.memref_slice %arg4[%add3A_47] : memref<1052672xf32, #tpu.memory_space<vmem_shared>> -> memref<16384xf32, #tpu.memory_space<vmem_shared>>
    tpu.wait_dma2 semaphore(%arg10 : memref<!tpu.dma_semaphore, #tpu.memory_space<semaphore_mem>>) src(%arg5 : memref<16384xf32, #tpu.memory_space<vmem>>) dst(%dma_wait3A_62 : memref<16384xf32, #tpu.memory_space<vmem_shared>>)
    %barrier3A = arith.constant 0 : index
    tpu.barrier barrier_id(%barrier3A)
    %dma_start3A_63 = arith.constant 0 : i32
    %dma_start3A_64 = arith.constant 0 : i32
    %dma_start3A_65 = tpu.memref_slice %arg8[%dma_start3A_63, %dma_start3A_64] : memref<16x128xi32, #tpu.memory_space<vmem>> -> memref<1x128xi32, #tpu.memory_space<vmem>>
    %dma_start3A_66 = tpu.memref_squeeze %dma_start3A_65 : memref<1x128xi32, #tpu.memory_space<vmem>> -> memref<128xi32, #tpu.memory_space<vmem>>
    %dma_start3A_67 = arith.constant 0 : i32
    %dma_start3A_68 = tpu.memref_slice %arg4[%dma_start3A_67] : memref<1052672xf32, #tpu.memory_space<vmem_shared>> -> memref<1052672xf32, #tpu.memory_space<vmem_shared>>
    tpu.enqueue_indirect_dma source(%arg9 : memref<128xf32, #tpu.memory_space<vmem>>) target(%dma_start3A_68 : memref<1052672xf32, #tpu.memory_space<vmem_shared>>) offsets(%dma_start3A_66 : memref<128xi32, #tpu.memory_space<vmem>>) semaphore(%arg12 : memref<!tpu.dma_semaphore, #tpu.memory_space<semaphore_mem>>) {add = true}
    %dma_start3A_69 = arith.constant 1 : i32
    %dma_start3A_70 = arith.constant 0 : i32
    %dma_start3A_71 = tpu.memref_slice %arg8[%dma_start3A_69, %dma_start3A_70] : memref<16x128xi32, #tpu.memory_space<vmem>> -> memref<1x128xi32, #tpu.memory_space<vmem>>
    %dma_start3A_72 = tpu.memref_squeeze %dma_start3A_71 : memref<1x128xi32, #tpu.memory_space<vmem>> -> memref<128xi32, #tpu.memory_space<vmem>>
    %dma_start3A_73 = arith.constant 0 : i32
    %dma_start3A_74 = tpu.memref_slice %arg4[%dma_start3A_73] : memref<1052672xf32, #tpu.memory_space<vmem_shared>> -> memref<1052672xf32, #tpu.memory_space<vmem_shared>>
    tpu.enqueue_indirect_dma source(%arg9 : memref<128xf32, #tpu.memory_space<vmem>>) target(%dma_start3A_74 : memref<1052672xf32, #tpu.memory_space<vmem_shared>>) offsets(%dma_start3A_72 : memref<128xi32, #tpu.memory_space<vmem>>) semaphore(%arg12 : memref<!tpu.dma_semaphore, #tpu.memory_space<semaphore_mem>>) {add = true}
    %dma_start3A_75 = arith.constant 2 : i32
    %dma_start3A_76 = arith.constant 0 : i32
    %dma_start3A_77 = tpu.memref_slice %arg8[%dma_start3A_75, %dma_start3A_76] : memref<16x128xi32, #tpu.memory_space<vmem>> -> memref<1x128xi32, #tpu.memory_space<vmem>>
    %dma_start3A_78 = tpu.memref_squeeze %dma_start3A_77 : memref<1x128xi32, #tpu.memory_space<vmem>> -> memref<128xi32, #tpu.memory_space<vmem>>
    %dma_start3A_79 = arith.constant 0 : i32
    %dma_start3A_80 = tpu.memref_slice %arg4[%dma_start3A_79] : memref<1052672xf32, #tpu.memory_space<vmem_shared>> -> memref<1052672xf32, #tpu.memory_space<vmem_shared>>
    tpu.enqueue_indirect_dma source(%arg9 : memref<128xf32, #tpu.memory_space<vmem>>) target(%dma_start3A_80 : memref<1052672xf32, #tpu.memory_space<vmem_shared>>) offsets(%dma_start3A_78 : memref<128xi32, #tpu.memory_space<vmem>>) semaphore(%arg12 : memref<!tpu.dma_semaphore, #tpu.memory_space<semaphore_mem>>) {add = true}
    %dma_start3A_81 = arith.constant 3 : i32
    %dma_start3A_82 = arith.constant 0 : i32
    %dma_start3A_83 = tpu.memref_slice %arg8[%dma_start3A_81, %dma_start3A_82] : memref<16x128xi32, #tpu.memory_space<vmem>> -> memref<1x128xi32, #tpu.memory_space<vmem>>
    %dma_start3A_84 = tpu.memref_squeeze %dma_start3A_83 : memref<1x128xi32, #tpu.memory_space<vmem>> -> memref<128xi32, #tpu.memory_space<vmem>>
    %dma_start3A_85 = arith.constant 0 : i32
    %dma_start3A_86 = tpu.memref_slice %arg4[%dma_start3A_85] : memref<1052672xf32, #tpu.memory_space<vmem_shared>> -> memref<1052672xf32, #tpu.memory_space<vmem_shared>>
    tpu.enqueue_indirect_dma source(%arg9 : memref<128xf32, #tpu.memory_space<vmem>>) target(%dma_start3A_86 : memref<1052672xf32, #tpu.memory_space<vmem_shared>>) offsets(%dma_start3A_84 : memref<128xi32, #tpu.memory_space<vmem>>) semaphore(%arg12 : memref<!tpu.dma_semaphore, #tpu.memory_space<semaphore_mem>>) {add = true}
    %dma_start3A_87 = arith.constant 4 : i32
    %dma_start3A_88 = arith.constant 0 : i32
    %dma_start3A_89 = tpu.memref_slice %arg8[%dma_start3A_87, %dma_start3A_88] : memref<16x128xi32, #tpu.memory_space<vmem>> -> memref<1x128xi32, #tpu.memory_space<vmem>>
    %dma_start3A_90 = tpu.memref_squeeze %dma_start3A_89 : memref<1x128xi32, #tpu.memory_space<vmem>> -> memref<128xi32, #tpu.memory_space<vmem>>
    %dma_start3A_91 = arith.constant 0 : i32
    %dma_start3A_92 = tpu.memref_slice %arg4[%dma_start3A_91] : memref<1052672xf32, #tpu.memory_space<vmem_shared>> -> memref<1052672xf32, #tpu.memory_space<vmem_shared>>
    tpu.enqueue_indirect_dma source(%arg9 : memref<128xf32, #tpu.memory_space<vmem>>) target(%dma_start3A_92 : memref<1052672xf32, #tpu.memory_space<vmem_shared>>) offsets(%dma_start3A_90 : memref<128xi32, #tpu.memory_space<vmem>>) semaphore(%arg12 : memref<!tpu.dma_semaphore, #tpu.memory_space<semaphore_mem>>) {add = true}
    %dma_start3A_93 = arith.constant 5 : i32
    %dma_start3A_94 = arith.constant 0 : i32
    %dma_start3A_95 = tpu.memref_slice %arg8[%dma_start3A_93, %dma_start3A_94] : memref<16x128xi32, #tpu.memory_space<vmem>> -> memref<1x128xi32, #tpu.memory_space<vmem>>
    %dma_start3A_96 = tpu.memref_squeeze %dma_start3A_95 : memref<1x128xi32, #tpu.memory_space<vmem>> -> memref<128xi32, #tpu.memory_space<vmem>>
    %dma_start3A_97 = arith.constant 0 : i32
    %dma_start3A_98 = tpu.memref_slice %arg4[%dma_start3A_97] : memref<1052672xf32, #tpu.memory_space<vmem_shared>> -> memref<1052672xf32, #tpu.memory_space<vmem_shared>>
    tpu.enqueue_indirect_dma source(%arg9 : memref<128xf32, #tpu.memory_space<vmem>>) target(%dma_start3A_98 : memref<1052672xf32, #tpu.memory_space<vmem_shared>>) offsets(%dma_start3A_96 : memref<128xi32, #tpu.memory_space<vmem>>) semaphore(%arg12 : memref<!tpu.dma_semaphore, #tpu.memory_space<semaphore_mem>>) {add = true}
    %dma_start3A_99 = arith.constant 6 : i32
    %dma_start3A_100 = arith.constant 0 : i32
    %dma_start3A_101 = tpu.memref_slice %arg8[%dma_start3A_99, %dma_start3A_100] : memref<16x128xi32, #tpu.memory_space<vmem>> -> memref<1x128xi32, #tpu.memory_space<vmem>>
    %dma_start3A_102 = tpu.memref_squeeze %dma_start3A_101 : memref<1x128xi32, #tpu.memory_space<vmem>> -> memref<128xi32, #tpu.memory_space<vmem>>
    %dma_start3A_103 = arith.constant 0 : i32
    %dma_start3A_104 = tpu.memref_slice %arg4[%dma_start3A_103] : memref<1052672xf32, #tpu.memory_space<vmem_shared>> -> memref<1052672xf32, #tpu.memory_space<vmem_shared>>
    tpu.enqueue_indirect_dma source(%arg9 : memref<128xf32, #tpu.memory_space<vmem>>) target(%dma_start3A_104 : memref<1052672xf32, #tpu.memory_space<vmem_shared>>) offsets(%dma_start3A_102 : memref<128xi32, #tpu.memory_space<vmem>>) semaphore(%arg12 : memref<!tpu.dma_semaphore, #tpu.memory_space<semaphore_mem>>) {add = true}
    %dma_start3A_105 = arith.constant 7 : i32
    %dma_start3A_106 = arith.constant 0 : i32
    %dma_start3A_107 = tpu.memref_slice %arg8[%dma_start3A_105, %dma_start3A_106] : memref<16x128xi32, #tpu.memory_space<vmem>> -> memref<1x128xi32, #tpu.memory_space<vmem>>
    %dma_start3A_108 = tpu.memref_squeeze %dma_start3A_107 : memref<1x128xi32, #tpu.memory_space<vmem>> -> memref<128xi32, #tpu.memory_space<vmem>>
    %dma_start3A_109 = arith.constant 0 : i32
    %dma_start3A_110 = tpu.memref_slice %arg4[%dma_start3A_109] : memref<1052672xf32, #tpu.memory_space<vmem_shared>> -> memref<1052672xf32, #tpu.memory_space<vmem_shared>>
    tpu.enqueue_indirect_dma source(%arg9 : memref<128xf32, #tpu.memory_space<vmem>>) target(%dma_start3A_110 : memref<1052672xf32, #tpu.memory_space<vmem_shared>>) offsets(%dma_start3A_108 : memref<128xi32, #tpu.memory_space<vmem>>) semaphore(%arg12 : memref<!tpu.dma_semaphore, #tpu.memory_space<semaphore_mem>>) {add = true}
    %dma_start3A_111 = arith.constant 8 : i32
    %dma_start3A_112 = arith.constant 0 : i32
    %dma_start3A_113 = tpu.memref_slice %arg8[%dma_start3A_111, %dma_start3A_112] : memref<16x128xi32, #tpu.memory_space<vmem>> -> memref<1x128xi32, #tpu.memory_space<vmem>>
    %dma_start3A_114 = tpu.memref_squeeze %dma_start3A_113 : memref<1x128xi32, #tpu.memory_space<vmem>> -> memref<128xi32, #tpu.memory_space<vmem>>
    %dma_start3A_115 = arith.constant 0 : i32
    %dma_start3A_116 = tpu.memref_slice %arg4[%dma_start3A_115] : memref<1052672xf32, #tpu.memory_space<vmem_shared>> -> memref<1052672xf32, #tpu.memory_space<vmem_shared>>
    tpu.enqueue_indirect_dma source(%arg9 : memref<128xf32, #tpu.memory_space<vmem>>) target(%dma_start3A_116 : memref<1052672xf32, #tpu.memory_space<vmem_shared>>) offsets(%dma_start3A_114 : memref<128xi32, #tpu.memory_space<vmem>>) semaphore(%arg12 : memref<!tpu.dma_semaphore, #tpu.memory_space<semaphore_mem>>) {add = true}
    %dma_start3A_117 = arith.constant 9 : i32
    %dma_start3A_118 = arith.constant 0 : i32
    %dma_start3A_119 = tpu.memref_slice %arg8[%dma_start3A_117, %dma_start3A_118] : memref<16x128xi32, #tpu.memory_space<vmem>> -> memref<1x128xi32, #tpu.memory_space<vmem>>
    %dma_start3A_120 = tpu.memref_squeeze %dma_start3A_119 : memref<1x128xi32, #tpu.memory_space<vmem>> -> memref<128xi32, #tpu.memory_space<vmem>>
    %dma_start3A_121 = arith.constant 0 : i32
    %dma_start3A_122 = tpu.memref_slice %arg4[%dma_start3A_121] : memref<1052672xf32, #tpu.memory_space<vmem_shared>> -> memref<1052672xf32, #tpu.memory_space<vmem_shared>>
    tpu.enqueue_indirect_dma source(%arg9 : memref<128xf32, #tpu.memory_space<vmem>>) target(%dma_start3A_122 : memref<1052672xf32, #tpu.memory_space<vmem_shared>>) offsets(%dma_start3A_120 : memref<128xi32, #tpu.memory_space<vmem>>) semaphore(%arg12 : memref<!tpu.dma_semaphore, #tpu.memory_space<semaphore_mem>>) {add = true}
    %dma_start3A_123 = arith.constant 10 : i32
    %dma_start3A_124 = arith.constant 0 : i32
    %dma_start3A_125 = tpu.memref_slice %arg8[%dma_start3A_123, %dma_start3A_124] : memref<16x128xi32, #tpu.memory_space<vmem>> -> memref<1x128xi32, #tpu.memory_space<vmem>>
    %dma_start3A_126 = tpu.memref_squeeze %dma_start3A_125 : memref<1x128xi32, #tpu.memory_space<vmem>> -> memref<128xi32, #tpu.memory_space<vmem>>
    %dma_start3A_127 = arith.constant 0 : i32
    %dma_start3A_128 = tpu.memref_slice %arg4[%dma_start3A_127] : memref<1052672xf32, #tpu.memory_space<vmem_shared>> -> memref<1052672xf32, #tpu.memory_space<vmem_shared>>
    tpu.enqueue_indirect_dma source(%arg9 : memref<128xf32, #tpu.memory_space<vmem>>) target(%dma_start3A_128 : memref<1052672xf32, #tpu.memory_space<vmem_shared>>) offsets(%dma_start3A_126 : memref<128xi32, #tpu.memory_space<vmem>>) semaphore(%arg12 : memref<!tpu.dma_semaphore, #tpu.memory_space<semaphore_mem>>) {add = true}
    %dma_start3A_129 = arith.constant 11 : i32
    %dma_start3A_130 = arith.constant 0 : i32
    %dma_start3A_131 = tpu.memref_slice %arg8[%dma_start3A_129, %dma_start3A_130] : memref<16x128xi32, #tpu.memory_space<vmem>> -> memref<1x128xi32, #tpu.memory_space<vmem>>
    %dma_start3A_132 = tpu.memref_squeeze %dma_start3A_131 : memref<1x128xi32, #tpu.memory_space<vmem>> -> memref<128xi32, #tpu.memory_space<vmem>>
    %dma_start3A_133 = arith.constant 0 : i32
    %dma_start3A_134 = tpu.memref_slice %arg4[%dma_start3A_133] : memref<1052672xf32, #tpu.memory_space<vmem_shared>> -> memref<1052672xf32, #tpu.memory_space<vmem_shared>>
    tpu.enqueue_indirect_dma source(%arg9 : memref<128xf32, #tpu.memory_space<vmem>>) target(%dma_start3A_134 : memref<1052672xf32, #tpu.memory_space<vmem_shared>>) offsets(%dma_start3A_132 : memref<128xi32, #tpu.memory_space<vmem>>) semaphore(%arg12 : memref<!tpu.dma_semaphore, #tpu.memory_space<semaphore_mem>>) {add = true}
    %dma_start3A_135 = arith.constant 12 : i32
    %dma_start3A_136 = arith.constant 0 : i32
    %dma_start3A_137 = tpu.memref_slice %arg8[%dma_start3A_135, %dma_start3A_136] : memref<16x128xi32, #tpu.memory_space<vmem>> -> memref<1x128xi32, #tpu.memory_space<vmem>>
    %dma_start3A_138 = tpu.memref_squeeze %dma_start3A_137 : memref<1x128xi32, #tpu.memory_space<vmem>> -> memref<128xi32, #tpu.memory_space<vmem>>
    %dma_start3A_139 = arith.constant 0 : i32
    %dma_start3A_140 = tpu.memref_slice %arg4[%dma_start3A_139] : memref<1052672xf32, #tpu.memory_space<vmem_shared>> -> memref<1052672xf32, #tpu.memory_space<vmem_shared>>
    tpu.enqueue_indirect_dma source(%arg9 : memref<128xf32, #tpu.memory_space<vmem>>) target(%dma_start3A_140 : memref<1052672xf32, #tpu.memory_space<vmem_shared>>) offsets(%dma_start3A_138 : memref<128xi32, #tpu.memory_space<vmem>>) semaphore(%arg12 : memref<!tpu.dma_semaphore, #tpu.memory_space<semaphore_mem>>) {add = true}
    %dma_start3A_141 = arith.constant 13 : i32
    %dma_start3A_142 = arith.constant 0 : i32
    %dma_start3A_143 = tpu.memref_slice %arg8[%dma_start3A_141, %dma_start3A_142] : memref<16x128xi32, #tpu.memory_space<vmem>> -> memref<1x128xi32, #tpu.memory_space<vmem>>
    %dma_start3A_144 = tpu.memref_squeeze %dma_start3A_143 : memref<1x128xi32, #tpu.memory_space<vmem>> -> memref<128xi32, #tpu.memory_space<vmem>>
    %dma_start3A_145 = arith.constant 0 : i32
    %dma_start3A_146 = tpu.memref_slice %arg4[%dma_start3A_145] : memref<1052672xf32, #tpu.memory_space<vmem_shared>> -> memref<1052672xf32, #tpu.memory_space<vmem_shared>>
    tpu.enqueue_indirect_dma source(%arg9 : memref<128xf32, #tpu.memory_space<vmem>>) target(%dma_start3A_146 : memref<1052672xf32, #tpu.memory_space<vmem_shared>>) offsets(%dma_start3A_144 : memref<128xi32, #tpu.memory_space<vmem>>) semaphore(%arg12 : memref<!tpu.dma_semaphore, #tpu.memory_space<semaphore_mem>>) {add = true}
    %dma_start3A_147 = arith.constant 14 : i32
    %dma_start3A_148 = arith.constant 0 : i32
    %dma_start3A_149 = tpu.memref_slice %arg8[%dma_start3A_147, %dma_start3A_148] : memref<16x128xi32, #tpu.memory_space<vmem>> -> memref<1x128xi32, #tpu.memory_space<vmem>>
    %dma_start3A_150 = tpu.memref_squeeze %dma_start3A_149 : memref<1x128xi32, #tpu.memory_space<vmem>> -> memref<128xi32, #tpu.memory_space<vmem>>
    %dma_start3A_151 = arith.constant 0 : i32
    %dma_start3A_152 = tpu.memref_slice %arg4[%dma_start3A_151] : memref<1052672xf32, #tpu.memory_space<vmem_shared>> -> memref<1052672xf32, #tpu.memory_space<vmem_shared>>
    tpu.enqueue_indirect_dma source(%arg9 : memref<128xf32, #tpu.memory_space<vmem>>) target(%dma_start3A_152 : memref<1052672xf32, #tpu.memory_space<vmem_shared>>) offsets(%dma_start3A_150 : memref<128xi32, #tpu.memory_space<vmem>>) semaphore(%arg12 : memref<!tpu.dma_semaphore, #tpu.memory_space<semaphore_mem>>) {add = true}
    %dma_start3A_153 = arith.constant 15 : i32
    %dma_start3A_154 = arith.constant 0 : i32
    %dma_start3A_155 = tpu.memref_slice %arg8[%dma_start3A_153, %dma_start3A_154] : memref<16x128xi32, #tpu.memory_space<vmem>> -> memref<1x128xi32, #tpu.memory_space<vmem>>
    %dma_start3A_156 = tpu.memref_squeeze %dma_start3A_155 : memref<1x128xi32, #tpu.memory_space<vmem>> -> memref<128xi32, #tpu.memory_space<vmem>>
    %dma_start3A_157 = arith.constant 0 : i32
    %dma_start3A_158 = tpu.memref_slice %arg4[%dma_start3A_157] : memref<1052672xf32, #tpu.memory_space<vmem_shared>> -> memref<1052672xf32, #tpu.memory_space<vmem_shared>>
    tpu.enqueue_indirect_dma source(%arg9 : memref<128xf32, #tpu.memory_space<vmem>>) target(%dma_start3A_158 : memref<1052672xf32, #tpu.memory_space<vmem_shared>>) offsets(%dma_start3A_156 : memref<128xi32, #tpu.memory_space<vmem>>) semaphore(%arg12 : memref<!tpu.dma_semaphore, #tpu.memory_space<semaphore_mem>>) {add = true}
    %dma_wait3A_159 = arith.constant 0 : i32
    %dma_wait3A_160 = arith.constant 0 : i32
    %dma_wait3A_161 = tpu.memref_slice %arg8[%dma_wait3A_159, %dma_wait3A_160] : memref<16x128xi32, #tpu.memory_space<vmem>> -> memref<1x128xi32, #tpu.memory_space<vmem>>
    %dma_wait3A_162 = tpu.memref_squeeze %dma_wait3A_161 : memref<1x128xi32, #tpu.memory_space<vmem>> -> memref<128xi32, #tpu.memory_space<vmem>>
    %dma_wait3A_163 = arith.constant 0 : i32
    %dma_wait3A_164 = tpu.memref_slice %arg4[%dma_wait3A_163] : memref<1052672xf32, #tpu.memory_space<vmem_shared>> -> memref<1052672xf32, #tpu.memory_space<vmem_shared>>
    tpu.wait_indirect_dma semaphore(%arg12 : memref<!tpu.dma_semaphore, #tpu.memory_space<semaphore_mem>>) src(%arg9 : memref<128xf32, #tpu.memory_space<vmem>>) dst(%dma_wait3A_164 : memref<1052672xf32, #tpu.memory_space<vmem_shared>>)
    %dma_wait3A_165 = arith.constant 1 : i32
    %dma_wait3A_166 = arith.constant 0 : i32
    %dma_wait3A_167 = tpu.memref_slice %arg8[%dma_wait3A_165, %dma_wait3A_166] : memref<16x128xi32, #tpu.memory_space<vmem>> -> memref<1x128xi32, #tpu.memory_space<vmem>>
    %dma_wait3A_168 = tpu.memref_squeeze %dma_wait3A_167 : memref<1x128xi32, #tpu.memory_space<vmem>> -> memref<128xi32, #tpu.memory_space<vmem>>
    %dma_wait3A_169 = arith.constant 0 : i32
    %dma_wait3A_170 = tpu.memref_slice %arg4[%dma_wait3A_169] : memref<1052672xf32, #tpu.memory_space<vmem_shared>> -> memref<1052672xf32, #tpu.memory_space<vmem_shared>>
    tpu.wait_indirect_dma semaphore(%arg12 : memref<!tpu.dma_semaphore, #tpu.memory_space<semaphore_mem>>) src(%arg9 : memref<128xf32, #tpu.memory_space<vmem>>) dst(%dma_wait3A_170 : memref<1052672xf32, #tpu.memory_space<vmem_shared>>)
    %dma_wait3A_171 = arith.constant 2 : i32
    %dma_wait3A_172 = arith.constant 0 : i32
    %dma_wait3A_173 = tpu.memref_slice %arg8[%dma_wait3A_171, %dma_wait3A_172] : memref<16x128xi32, #tpu.memory_space<vmem>> -> memref<1x128xi32, #tpu.memory_space<vmem>>
    %dma_wait3A_174 = tpu.memref_squeeze %dma_wait3A_173 : memref<1x128xi32, #tpu.memory_space<vmem>> -> memref<128xi32, #tpu.memory_space<vmem>>
    %dma_wait3A_175 = arith.constant 0 : i32
    %dma_wait3A_176 = tpu.memref_slice %arg4[%dma_wait3A_175] : memref<1052672xf32, #tpu.memory_space<vmem_shared>> -> memref<1052672xf32, #tpu.memory_space<vmem_shared>>
    tpu.wait_indirect_dma semaphore(%arg12 : memref<!tpu.dma_semaphore, #tpu.memory_space<semaphore_mem>>) src(%arg9 : memref<128xf32, #tpu.memory_space<vmem>>) dst(%dma_wait3A_176 : memref<1052672xf32, #tpu.memory_space<vmem_shared>>)
    %dma_wait3A_177 = arith.constant 3 : i32
    %dma_wait3A_178 = arith.constant 0 : i32
    %dma_wait3A_179 = tpu.memref_slice %arg8[%dma_wait3A_177, %dma_wait3A_178] : memref<16x128xi32, #tpu.memory_space<vmem>> -> memref<1x128xi32, #tpu.memory_space<vmem>>
    %dma_wait3A_180 = tpu.memref_squeeze %dma_wait3A_179 : memref<1x128xi32, #tpu.memory_space<vmem>> -> memref<128xi32, #tpu.memory_space<vmem>>
    %dma_wait3A_181 = arith.constant 0 : i32
    %dma_wait3A_182 = tpu.memref_slice %arg4[%dma_wait3A_181] : memref<1052672xf32, #tpu.memory_space<vmem_shared>> -> memref<1052672xf32, #tpu.memory_space<vmem_shared>>
    tpu.wait_indirect_dma semaphore(%arg12 : memref<!tpu.dma_semaphore, #tpu.memory_space<semaphore_mem>>) src(%arg9 : memref<128xf32, #tpu.memory_space<vmem>>) dst(%dma_wait3A_182 : memref<1052672xf32, #tpu.memory_space<vmem_shared>>)
    %dma_wait3A_183 = arith.constant 4 : i32
    %dma_wait3A_184 = arith.constant 0 : i32
    %dma_wait3A_185 = tpu.memref_slice %arg8[%dma_wait3A_183, %dma_wait3A_184] : memref<16x128xi32, #tpu.memory_space<vmem>> -> memref<1x128xi32, #tpu.memory_space<vmem>>
    %dma_wait3A_186 = tpu.memref_squeeze %dma_wait3A_185 : memref<1x128xi32, #tpu.memory_space<vmem>> -> memref<128xi32, #tpu.memory_space<vmem>>
    %dma_wait3A_187 = arith.constant 0 : i32
    %dma_wait3A_188 = tpu.memref_slice %arg4[%dma_wait3A_187] : memref<1052672xf32, #tpu.memory_space<vmem_shared>> -> memref<1052672xf32, #tpu.memory_space<vmem_shared>>
    tpu.wait_indirect_dma semaphore(%arg12 : memref<!tpu.dma_semaphore, #tpu.memory_space<semaphore_mem>>) src(%arg9 : memref<128xf32, #tpu.memory_space<vmem>>) dst(%dma_wait3A_188 : memref<1052672xf32, #tpu.memory_space<vmem_shared>>)
    %dma_wait3A_189 = arith.constant 5 : i32
    %dma_wait3A_190 = arith.constant 0 : i32
    %dma_wait3A_191 = tpu.memref_slice %arg8[%dma_wait3A_189, %dma_wait3A_190] : memref<16x128xi32, #tpu.memory_space<vmem>> -> memref<1x128xi32, #tpu.memory_space<vmem>>
    %dma_wait3A_192 = tpu.memref_squeeze %dma_wait3A_191 : memref<1x128xi32, #tpu.memory_space<vmem>> -> memref<128xi32, #tpu.memory_space<vmem>>
    %dma_wait3A_193 = arith.constant 0 : i32
    %dma_wait3A_194 = tpu.memref_slice %arg4[%dma_wait3A_193] : memref<1052672xf32, #tpu.memory_space<vmem_shared>> -> memref<1052672xf32, #tpu.memory_space<vmem_shared>>
    tpu.wait_indirect_dma semaphore(%arg12 : memref<!tpu.dma_semaphore, #tpu.memory_space<semaphore_mem>>) src(%arg9 : memref<128xf32, #tpu.memory_space<vmem>>) dst(%dma_wait3A_194 : memref<1052672xf32, #tpu.memory_space<vmem_shared>>)
    %dma_wait3A_195 = arith.constant 6 : i32
    %dma_wait3A_196 = arith.constant 0 : i32
    %dma_wait3A_197 = tpu.memref_slice %arg8[%dma_wait3A_195, %dma_wait3A_196] : memref<16x128xi32, #tpu.memory_space<vmem>> -> memref<1x128xi32, #tpu.memory_space<vmem>>
    %dma_wait3A_198 = tpu.memref_squeeze %dma_wait3A_197 : memref<1x128xi32, #tpu.memory_space<vmem>> -> memref<128xi32, #tpu.memory_space<vmem>>
    %dma_wait3A_199 = arith.constant 0 : i32
    %dma_wait3A_200 = tpu.memref_slice %arg4[%dma_wait3A_199] : memref<1052672xf32, #tpu.memory_space<vmem_shared>> -> memref<1052672xf32, #tpu.memory_space<vmem_shared>>
    tpu.wait_indirect_dma semaphore(%arg12 : memref<!tpu.dma_semaphore, #tpu.memory_space<semaphore_mem>>) src(%arg9 : memref<128xf32, #tpu.memory_space<vmem>>) dst(%dma_wait3A_200 : memref<1052672xf32, #tpu.memory_space<vmem_shared>>)
    %dma_wait3A_201 = arith.constant 7 : i32
    %dma_wait3A_202 = arith.constant 0 : i32
    %dma_wait3A_203 = tpu.memref_slice %arg8[%dma_wait3A_201, %dma_wait3A_202] : memref<16x128xi32, #tpu.memory_space<vmem>> -> memref<1x128xi32, #tpu.memory_space<vmem>>
    %dma_wait3A_204 = tpu.memref_squeeze %dma_wait3A_203 : memref<1x128xi32, #tpu.memory_space<vmem>> -> memref<128xi32, #tpu.memory_space<vmem>>
    %dma_wait3A_205 = arith.constant 0 : i32
    %dma_wait3A_206 = tpu.memref_slice %arg4[%dma_wait3A_205] : memref<1052672xf32, #tpu.memory_space<vmem_shared>> -> memref<1052672xf32, #tpu.memory_space<vmem_shared>>
    tpu.wait_indirect_dma semaphore(%arg12 : memref<!tpu.dma_semaphore, #tpu.memory_space<semaphore_mem>>) src(%arg9 : memref<128xf32, #tpu.memory_space<vmem>>) dst(%dma_wait3A_206 : memref<1052672xf32, #tpu.memory_space<vmem_shared>>)
    %dma_wait3A_207 = arith.constant 8 : i32
    %dma_wait3A_208 = arith.constant 0 : i32
    %dma_wait3A_209 = tpu.memref_slice %arg8[%dma_wait3A_207, %dma_wait3A_208] : memref<16x128xi32, #tpu.memory_space<vmem>> -> memref<1x128xi32, #tpu.memory_space<vmem>>
    %dma_wait3A_210 = tpu.memref_squeeze %dma_wait3A_209 : memref<1x128xi32, #tpu.memory_space<vmem>> -> memref<128xi32, #tpu.memory_space<vmem>>
    %dma_wait3A_211 = arith.constant 0 : i32
    %dma_wait3A_212 = tpu.memref_slice %arg4[%dma_wait3A_211] : memref<1052672xf32, #tpu.memory_space<vmem_shared>> -> memref<1052672xf32, #tpu.memory_space<vmem_shared>>
    tpu.wait_indirect_dma semaphore(%arg12 : memref<!tpu.dma_semaphore, #tpu.memory_space<semaphore_mem>>) src(%arg9 : memref<128xf32, #tpu.memory_space<vmem>>) dst(%dma_wait3A_212 : memref<1052672xf32, #tpu.memory_space<vmem_shared>>)
    %dma_wait3A_213 = arith.constant 9 : i32
    %dma_wait3A_214 = arith.constant 0 : i32
    %dma_wait3A_215 = tpu.memref_slice %arg8[%dma_wait3A_213, %dma_wait3A_214] : memref<16x128xi32, #tpu.memory_space<vmem>> -> memref<1x128xi32, #tpu.memory_space<vmem>>
    %dma_wait3A_216 = tpu.memref_squeeze %dma_wait3A_215 : memref<1x128xi32, #tpu.memory_space<vmem>> -> memref<128xi32, #tpu.memory_space<vmem>>
    %dma_wait3A_217 = arith.constant 0 : i32
    %dma_wait3A_218 = tpu.memref_slice %arg4[%dma_wait3A_217] : memref<1052672xf32, #tpu.memory_space<vmem_shared>> -> memref<1052672xf32, #tpu.memory_space<vmem_shared>>
    tpu.wait_indirect_dma semaphore(%arg12 : memref<!tpu.dma_semaphore, #tpu.memory_space<semaphore_mem>>) src(%arg9 : memref<128xf32, #tpu.memory_space<vmem>>) dst(%dma_wait3A_218 : memref<1052672xf32, #tpu.memory_space<vmem_shared>>)
    %dma_wait3A_219 = arith.constant 10 : i32
    %dma_wait3A_220 = arith.constant 0 : i32
    %dma_wait3A_221 = tpu.memref_slice %arg8[%dma_wait3A_219, %dma_wait3A_220] : memref<16x128xi32, #tpu.memory_space<vmem>> -> memref<1x128xi32, #tpu.memory_space<vmem>>
    %dma_wait3A_222 = tpu.memref_squeeze %dma_wait3A_221 : memref<1x128xi32, #tpu.memory_space<vmem>> -> memref<128xi32, #tpu.memory_space<vmem>>
    %dma_wait3A_223 = arith.constant 0 : i32
    %dma_wait3A_224 = tpu.memref_slice %arg4[%dma_wait3A_223] : memref<1052672xf32, #tpu.memory_space<vmem_shared>> -> memref<1052672xf32, #tpu.memory_space<vmem_shared>>
    tpu.wait_indirect_dma semaphore(%arg12 : memref<!tpu.dma_semaphore, #tpu.memory_space<semaphore_mem>>) src(%arg9 : memref<128xf32, #tpu.memory_space<vmem>>) dst(%dma_wait3A_224 : memref<1052672xf32, #tpu.memory_space<vmem_shared>>)
    %dma_wait3A_225 = arith.constant 11 : i32
    %dma_wait3A_226 = arith.constant 0 : i32
    %dma_wait3A_227 = tpu.memref_slice %arg8[%dma_wait3A_225, %dma_wait3A_226] : memref<16x128xi32, #tpu.memory_space<vmem>> -> memref<1x128xi32, #tpu.memory_space<vmem>>
    %dma_wait3A_228 = tpu.memref_squeeze %dma_wait3A_227 : memref<1x128xi32, #tpu.memory_space<vmem>> -> memref<128xi32, #tpu.memory_space<vmem>>
    %dma_wait3A_229 = arith.constant 0 : i32
    %dma_wait3A_230 = tpu.memref_slice %arg4[%dma_wait3A_229] : memref<1052672xf32, #tpu.memory_space<vmem_shared>> -> memref<1052672xf32, #tpu.memory_space<vmem_shared>>
    tpu.wait_indirect_dma semaphore(%arg12 : memref<!tpu.dma_semaphore, #tpu.memory_space<semaphore_mem>>) src(%arg9 : memref<128xf32, #tpu.memory_space<vmem>>) dst(%dma_wait3A_230 : memref<1052672xf32, #tpu.memory_space<vmem_shared>>)
    %dma_wait3A_231 = arith.constant 12 : i32
    %dma_wait3A_232 = arith.constant 0 : i32
    %dma_wait3A_233 = tpu.memref_slice %arg8[%dma_wait3A_231, %dma_wait3A_232] : memref<16x128xi32, #tpu.memory_space<vmem>> -> memref<1x128xi32, #tpu.memory_space<vmem>>
    %dma_wait3A_234 = tpu.memref_squeeze %dma_wait3A_233 : memref<1x128xi32, #tpu.memory_space<vmem>> -> memref<128xi32, #tpu.memory_space<vmem>>
    %dma_wait3A_235 = arith.constant 0 : i32
    %dma_wait3A_236 = tpu.memref_slice %arg4[%dma_wait3A_235] : memref<1052672xf32, #tpu.memory_space<vmem_shared>> -> memref<1052672xf32, #tpu.memory_space<vmem_shared>>
    tpu.wait_indirect_dma semaphore(%arg12 : memref<!tpu.dma_semaphore, #tpu.memory_space<semaphore_mem>>) src(%arg9 : memref<128xf32, #tpu.memory_space<vmem>>) dst(%dma_wait3A_236 : memref<1052672xf32, #tpu.memory_space<vmem_shared>>)
    %dma_wait3A_237 = arith.constant 13 : i32
    %dma_wait3A_238 = arith.constant 0 : i32
    %dma_wait3A_239 = tpu.memref_slice %arg8[%dma_wait3A_237, %dma_wait3A_238] : memref<16x128xi32, #tpu.memory_space<vmem>> -> memref<1x128xi32, #tpu.memory_space<vmem>>
    %dma_wait3A_240 = tpu.memref_squeeze %dma_wait3A_239 : memref<1x128xi32, #tpu.memory_space<vmem>> -> memref<128xi32, #tpu.memory_space<vmem>>
    %dma_wait3A_241 = arith.constant 0 : i32
    %dma_wait3A_242 = tpu.memref_slice %arg4[%dma_wait3A_241] : memref<1052672xf32, #tpu.memory_space<vmem_shared>> -> memref<1052672xf32, #tpu.memory_space<vmem_shared>>
    tpu.wait_indirect_dma semaphore(%arg12 : memref<!tpu.dma_semaphore, #tpu.memory_space<semaphore_mem>>) src(%arg9 : memref<128xf32, #tpu.memory_space<vmem>>) dst(%dma_wait3A_242 : memref<1052672xf32, #tpu.memory_space<vmem_shared>>)
    %dma_wait3A_243 = arith.constant 14 : i32
    %dma_wait3A_244 = arith.constant 0 : i32
    %dma_wait3A_245 = tpu.memref_slice %arg8[%dma_wait3A_243, %dma_wait3A_244] : memref<16x128xi32, #tpu.memory_space<vmem>> -> memref<1x128xi32, #tpu.memory_space<vmem>>
    %dma_wait3A_246 = tpu.memref_squeeze %dma_wait3A_245 : memref<1x128xi32, #tpu.memory_space<vmem>> -> memref<128xi32, #tpu.memory_space<vmem>>
    %dma_wait3A_247 = arith.constant 0 : i32
    %dma_wait3A_248 = tpu.memref_slice %arg4[%dma_wait3A_247] : memref<1052672xf32, #tpu.memory_space<vmem_shared>> -> memref<1052672xf32, #tpu.memory_space<vmem_shared>>
    tpu.wait_indirect_dma semaphore(%arg12 : memref<!tpu.dma_semaphore, #tpu.memory_space<semaphore_mem>>) src(%arg9 : memref<128xf32, #tpu.memory_space<vmem>>) dst(%dma_wait3A_248 : memref<1052672xf32, #tpu.memory_space<vmem_shared>>)
    %dma_wait3A_249 = arith.constant 15 : i32
    %dma_wait3A_250 = arith.constant 0 : i32
    %dma_wait3A_251 = tpu.memref_slice %arg8[%dma_wait3A_249, %dma_wait3A_250] : memref<16x128xi32, #tpu.memory_space<vmem>> -> memref<1x128xi32, #tpu.memory_space<vmem>>
    %dma_wait3A_252 = tpu.memref_squeeze %dma_wait3A_251 : memref<1x128xi32, #tpu.memory_space<vmem>> -> memref<128xi32, #tpu.memory_space<vmem>>
    %dma_wait3A_253 = arith.constant 0 : i32
    %dma_wait3A_254 = tpu.memref_slice %arg4[%dma_wait3A_253] : memref<1052672xf32, #tpu.memory_space<vmem_shared>> -> memref<1052672xf32, #tpu.memory_space<vmem_shared>>
    tpu.wait_indirect_dma semaphore(%arg12 : memref<!tpu.dma_semaphore, #tpu.memory_space<semaphore_mem>>) src(%arg9 : memref<128xf32, #tpu.memory_space<vmem>>) dst(%dma_wait3A_254 : memref<1052672xf32, #tpu.memory_space<vmem_shared>>)
    %barrier3A_255 = arith.constant 0 : index
    tpu.barrier barrier_id(%barrier3A_255)
    %mul3A_256 = arith.constant 65536 : i32
    %mul3A_257 = arith.muli %arg1, %mul3A_256 : i32
    %mul3A_258 = arith.constant 65536 : i32
    %mul3A_259 = arith.muli %arg1, %mul3A_258 : i32
    %add3A_260 = arith.addi %add3A_25, %mul3A_259 : i32
    %dma_start3A_261 = tpu.memref_slice %arg3[%add3A_260] : memref<4194304xf32, #tpu.memory_space<hbm>> -> memref<65536xf32, #tpu.memory_space<hbm>>
    %dma_start3A_262 = tpu.memref_slice %arg4[%mul3A_257] : memref<1052672xf32, #tpu.memory_space<vmem_shared>> -> memref<65536xf32, #tpu.memory_space<vmem_shared>>
    tpu.enqueue_dma source(%dma_start3A_262 : memref<65536xf32, #tpu.memory_space<vmem_shared>>) target(%dma_start3A_261 : memref<65536xf32, #tpu.memory_space<hbm>>) target_semaphore(%arg13 : memref<!tpu.dma_semaphore, #tpu.memory_space<semaphore_mem>>)
    %dma_wait3A_263 = tpu.memref_slice %arg3[%add3A_260] : memref<4194304xf32, #tpu.memory_space<hbm>> -> memref<65536xf32, #tpu.memory_space<hbm>>
    %dma_wait3A_264 = tpu.memref_slice %arg4[%mul3A_257] : memref<1052672xf32, #tpu.memory_space<vmem_shared>> -> memref<65536xf32, #tpu.memory_space<vmem_shared>>
    tpu.wait_dma2 semaphore(%arg13 : memref<!tpu.dma_semaphore, #tpu.memory_space<semaphore_mem>>) src(%dma_wait3A_264 : memref<65536xf32, #tpu.memory_space<vmem_shared>>) dst(%dma_wait3A_263 : memref<65536xf32, #tpu.memory_space<hbm>>)
    %barrier3A_265 = arith.constant 0 : index
    tpu.barrier barrier_id(%barrier3A_265)
    %mul3A_266 = arith.constant 2097152 : i32
    %mul3A_267 = arith.muli %arg0, %mul3A_266 : i32
    %add3A_268 = arith.constant 1048576 : i32
    %add3A_269 = arith.addi %mul3A_267, %add3A_268 : i32
    %mul3A_270 = arith.constant 65536 : i32
    %mul3A_271 = arith.muli %arg1, %mul3A_270 : i32
    %add3A_272 = arith.constant 0 : i32
    %add3A_273 = arith.addi %mul3A_271, %add3A_272 : i32
    %dma_start3A_274 = tpu.memref_slice %arg4[%add3A_273] : memref<1052672xf32, #tpu.memory_space<vmem_shared>> -> memref<16384xf32, #tpu.memory_space<vmem_shared>>
    %dma_start3A_275 = tpu.memref_slice %arg4[%add3A_273] : memref<1052672xf32, #tpu.memory_space<vmem_shared>> -> memref<16384xf32, #tpu.memory_space<vmem_shared>>
    tpu.enqueue_dma source(%arg5 : memref<16384xf32, #tpu.memory_space<vmem>>) target(%dma_start3A_275 : memref<16384xf32, #tpu.memory_space<vmem_shared>>) target_semaphore(%arg10 : memref<!tpu.dma_semaphore, #tpu.memory_space<semaphore_mem>>)
    %mul3A_276 = arith.constant 65536 : i32
    %mul3A_277 = arith.muli %arg1, %mul3A_276 : i32
    %add3A_278 = arith.constant 16384 : i32
    %add3A_279 = arith.addi %mul3A_277, %add3A_278 : i32
    %dma_start3A_280 = tpu.memref_slice %arg4[%add3A_279] : memref<1052672xf32, #tpu.memory_space<vmem_shared>> -> memref<16384xf32, #tpu.memory_space<vmem_shared>>
    %dma_start3A_281 = tpu.memref_slice %arg4[%add3A_279] : memref<1052672xf32, #tpu.memory_space<vmem_shared>> -> memref<16384xf32, #tpu.memory_space<vmem_shared>>
    tpu.enqueue_dma source(%arg5 : memref<16384xf32, #tpu.memory_space<vmem>>) target(%dma_start3A_281 : memref<16384xf32, #tpu.memory_space<vmem_shared>>) target_semaphore(%arg10 : memref<!tpu.dma_semaphore, #tpu.memory_space<semaphore_mem>>)
    %mul3A_282 = arith.constant 65536 : i32
    %mul3A_283 = arith.muli %arg1, %mul3A_282 : i32
    %add3A_284 = arith.constant 32768 : i32
    %add3A_285 = arith.addi %mul3A_283, %add3A_284 : i32
    %dma_start3A_286 = tpu.memref_slice %arg4[%add3A_285] : memref<1052672xf32, #tpu.memory_space<vmem_shared>> -> memref<16384xf32, #tpu.memory_space<vmem_shared>>
    %dma_start3A_287 = tpu.memref_slice %arg4[%add3A_285] : memref<1052672xf32, #tpu.memory_space<vmem_shared>> -> memref<16384xf32, #tpu.memory_space<vmem_shared>>
    tpu.enqueue_dma source(%arg5 : memref<16384xf32, #tpu.memory_space<vmem>>) target(%dma_start3A_287 : memref<16384xf32, #tpu.memory_space<vmem_shared>>) target_semaphore(%arg10 : memref<!tpu.dma_semaphore, #tpu.memory_space<semaphore_mem>>)
    %mul3A_288 = arith.constant 65536 : i32
    %mul3A_289 = arith.muli %arg1, %mul3A_288 : i32
    %add3A_290 = arith.constant 49152 : i32
    %add3A_291 = arith.addi %mul3A_289, %add3A_290 : i32
    %dma_start3A_292 = tpu.memref_slice %arg4[%add3A_291] : memref<1052672xf32, #tpu.memory_space<vmem_shared>> -> memref<16384xf32, #tpu.memory_space<vmem_shared>>
    %dma_start3A_293 = tpu.memref_slice %arg4[%add3A_291] : memref<1052672xf32, #tpu.memory_space<vmem_shared>> -> memref<16384xf32, #tpu.memory_space<vmem_shared>>
    tpu.enqueue_dma source(%arg5 : memref<16384xf32, #tpu.memory_space<vmem>>) target(%dma_start3A_293 : memref<16384xf32, #tpu.memory_space<vmem_shared>>) target_semaphore(%arg10 : memref<!tpu.dma_semaphore, #tpu.memory_space<semaphore_mem>>)
    %scan3A_294 = arith.constant 0 : i32
    %scan3A_295 = arith.constant 128 : i32
    %scan3A_296 = arith.addi %scan3A_294, %scan3A_295 : i32
    %scan3A_297 = arith.constant 1 : i32
    scf.for %scan3A_511 = %scan3A_294 to %scan3A_296 step %scan3A_297  : i32 {
      %mul3A_512 = arith.constant 1 : i32
      %mul3A_513 = arith.muli %scan3A_511, %mul3A_512 : i32
      %add3A_514 = arith.constant 0 : i32
      %add3A_515 = arith.addi %add3A_514, %mul3A_513 : i32
      %mul3A_516 = arith.constant 16 : i32
      %mul3A_517 = arith.muli %add3A_515, %mul3A_516 : i32
      %get3A = arith.index_cast %mul3A_517 : i32 to index
      %get3A_518 = tpu.vector_load %arg6[%get3A] {strides = array<i32>} : memref<2048xi32, #tpu.memory_space<vmem>>, vector<16xi32>,
      %get3A_519 = vector.shape_cast %get3A_518 : vector<16xi32> to vector<16xi32>
      %mul3A_520 = arith.constant 16 : i32
      %mul3A_521 = arith.muli %add3A_515, %mul3A_520 : i32
      %get3A_522 = arith.index_cast %mul3A_521 : i32 to index
      %get3A_523 = tpu.vector_load %arg7[%get3A_522] {strides = array<i32>} : memref<2048xi32, #tpu.memory_space<vmem>>, vector<16xi32>,
      %get3A_524 = vector.shape_cast %get3A_523 : vector<16xi32> to vector<16xi32>
      %mul3A_525 = arith.constant 2048 : i32
      %mul3A_526 = vector.broadcast %mul3A_525 : i32 to vector<16xi32>
      %mul3A_527 = arith.muli %get3A_519, %mul3A_526 : vector<16xi32>
      %add3A_528 = arith.addi %mul3A_527, %get3A_524 : vector<16xi32>
      %sub3A = vector.broadcast %add3A_269 : i32 to vector<16xi32>
      %sub3A_529 = arith.subi %add3A_528, %sub3A : vector<16xi32>
      %ge3A = arith.constant 0 : i32
      %ge3A_530 = vector.broadcast %ge3A : i32 to vector<16xi32>
      %ge3A_531 = arith.cmpi sge, %sub3A_529, %ge3A_530 : vector<16xi32>
      %lt3A = arith.constant 1048576 : i32
      %lt3A_532 = vector.broadcast %lt3A : i32 to vector<16xi32>
      %lt3A_533 = arith.cmpi slt, %sub3A_529, %lt3A_532 : vector<16xi32>
      %and3A = arith.andi %ge3A_531, %lt3A_533 : vector<16xi1>
      %mul3A_534 = arith.constant 2048 : i32
      %mul3A_535 = arith.muli %add3A, %mul3A_534 : i32
      %mul3A_536 = arith.constant 16 : i32
      %mul3A_537 = arith.muli %add3A_515, %mul3A_536 : i32
      %add3A_538 = arith.addi %mul3A_535, %mul3A_537 : i32
      %iota3A = tpu.iota {dimensions = array<i32: 0>} : vector<16xi32>
      %add3A_539 = vector.broadcast %add3A_538 : i32 to vector<16xi32>
      %add3A_540 = arith.addi %add3A_539, %iota3A : vector<16xi32>
      %and3A_541 = arith.constant 4095 : i32
      %and3A_542 = vector.broadcast %and3A_541 : i32 to vector<16xi32>
      %and3A_543 = arith.andi %add3A_540, %and3A_542 : vector<16xi32>
      %add3A_544 = arith.constant 1048576 : i32
      %add3A_545 = vector.broadcast %add3A_544 : i32 to vector<16xi32>
      %add3A_546 = arith.addi %add3A_545, %and3A_543 : vector<16xi32>
      %select_n3A = arith.select %and3A, %sub3A_529, %add3A_546 : vector<16xi1>, vector<16xi32>
      %jit3A = arith.constant 8 : i32
      %div3A = arith.divsi %add3A_515, %jit3A : i32
      %sign3A = arith.constant 0 : i32
      %sign3A_547 = arith.cmpi sgt, %add3A_515, %sign3A : i32
      %sign3A_548 = arith.extui %sign3A_547 : i1 to i32
      %sign3A_549 = arith.constant 0 : i32
      %sign3A_550 = arith.cmpi slt, %add3A_515, %sign3A_549 : i32
      %sign3A_551 = arith.extui %sign3A_550 : i1 to i32
      %sign3A_552 = arith.subi %sign3A_548, %sign3A_551 : i32
      %sign3A_553 = arith.constant 0 : i32
      %sign3A_554 = arith.cmpi sgt, %jit3A, %sign3A_553 : i32
      %sign3A_555 = arith.extui %sign3A_554 : i1 to i32
      %sign3A_556 = arith.constant 0 : i32
      %sign3A_557 = arith.cmpi slt, %jit3A, %sign3A_556 : i32
      %sign3A_558 = arith.extui %sign3A_557 : i1 to i32
      %sign3A_559 = arith.subi %sign3A_555, %sign3A_558 : i32
      %ne3A = arith.cmpi ne, %sign3A_552, %sign3A_559 : i32
      %rem3A = arith.remsi %add3A_515, %jit3A : i32
      %ne3A_560 = arith.constant 0 : i32
      %ne3A_561 = arith.cmpi ne, %rem3A, %ne3A_560 : i32
      %and3A_562 = arith.andi %ne3A, %ne3A_561 : i1
      %sub3A_563 = arith.constant 1 : i32
      %sub3A_564 = arith.subi %div3A, %sub3A_563 : i32
      %select_n3A_565 = arith.select %and3A_562, %sub3A_564, %div3A : i32
      %jit3A_566 = arith.constant 8 : i32
      %eq3A = arith.constant 0 : i32
      %eq3A_567 = arith.cmpi eq, %jit3A_566, %eq3A : i32
      %jit3A_568 = arith.constant 1 : i32
      %select_n3A_569 = arith.select %eq3A_567, %jit3A_568, %jit3A_566 : i32
      %rem3A_570 = arith.remsi %add3A_515, %select_n3A_569 : i32
      %ne3A_571 = arith.constant 0 : i32
      %ne3A_572 = arith.cmpi ne, %rem3A_570, %ne3A_571 : i32
      %lt3A_573 = arith.constant 0 : i32
      %lt3A_574 = arith.cmpi slt, %rem3A_570, %lt3A_573 : i32
      %lt3A_575 = arith.constant 0 : i32
      %lt3A_576 = arith.cmpi slt, %select_n3A_569, %lt3A_575 : i32
      %ne3A_577 = arith.xori %lt3A_574, %lt3A_576 : i1
      %and3A_578 = arith.andi %ne3A_577, %ne3A_572 : i1
      %add3A_579 = arith.addi %rem3A_570, %select_n3A_569 : i32
      %select_n3A_580 = arith.select %and3A_578, %add3A_579, %rem3A_570 : i32
      %mul3A_581 = arith.constant 16 : i32
      %mul3A_582 = arith.muli %select_n3A_580, %mul3A_581 : i32
      %swap3A = arith.index_cast %select_n3A_565 : i32 to index
      %swap3A_583 = arith.index_cast %mul3A_582 : i32 to index
      %swap3A_584 = tpu.vector_load %arg8[%swap3A, %swap3A_583] {strides = array<i32>} : memref<16x128xi32, #tpu.memory_space<vmem>>, vector<1x16xi32>,
      %swap3A_585 = vector.shape_cast %swap3A_584 : vector<1x16xi32> to vector<16xi32>
      %swap3A_586 = vector.shape_cast %select_n3A : vector<16xi32> to vector<1x16xi32>
      tpu.vector_store %arg8[%swap3A, %swap3A_583], %swap3A_586 {strides = array<i32>} : memref<16x128xi32, #tpu.memory_space<vmem>>, vector<1x16xi32>,
    }
    %scan3A_298 = arith.constant 128 : i32
    %dma_wait3A_299 = tpu.memref_slice %arg4[%add3A_273] : memref<1052672xf32, #tpu.memory_space<vmem_shared>> -> memref<16384xf32, #tpu.memory_space<vmem_shared>>
    %dma_wait3A_300 = tpu.memref_slice %arg4[%add3A_273] : memref<1052672xf32, #tpu.memory_space<vmem_shared>> -> memref<16384xf32, #tpu.memory_space<vmem_shared>>
    tpu.wait_dma2 semaphore(%arg10 : memref<!tpu.dma_semaphore, #tpu.memory_space<semaphore_mem>>) src(%arg5 : memref<16384xf32, #tpu.memory_space<vmem>>) dst(%dma_wait3A_300 : memref<16384xf32, #tpu.memory_space<vmem_shared>>)
    %dma_wait3A_301 = tpu.memref_slice %arg4[%add3A_279] : memref<1052672xf32, #tpu.memory_space<vmem_shared>> -> memref<16384xf32, #tpu.memory_space<vmem_shared>>
    %dma_wait3A_302 = tpu.memref_slice %arg4[%add3A_279] : memref<1052672xf32, #tpu.memory_space<vmem_shared>> -> memref<16384xf32, #tpu.memory_space<vmem_shared>>
    tpu.wait_dma2 semaphore(%arg10 : memref<!tpu.dma_semaphore, #tpu.memory_space<semaphore_mem>>) src(%arg5 : memref<16384xf32, #tpu.memory_space<vmem>>) dst(%dma_wait3A_302 : memref<16384xf32, #tpu.memory_space<vmem_shared>>)
    %dma_wait3A_303 = tpu.memref_slice %arg4[%add3A_285] : memref<1052672xf32, #tpu.memory_space<vmem_shared>> -> memref<16384xf32, #tpu.memory_space<vmem_shared>>
    %dma_wait3A_304 = tpu.memref_slice %arg4[%add3A_285] : memref<1052672xf32, #tpu.memory_space<vmem_shared>> -> memref<16384xf32, #tpu.memory_space<vmem_shared>>
    tpu.wait_dma2 semaphore(%arg10 : memref<!tpu.dma_semaphore, #tpu.memory_space<semaphore_mem>>) src(%arg5 : memref<16384xf32, #tpu.memory_space<vmem>>) dst(%dma_wait3A_304 : memref<16384xf32, #tpu.memory_space<vmem_shared>>)
    %dma_wait3A_305 = tpu.memref_slice %arg4[%add3A_291] : memref<1052672xf32, #tpu.memory_space<vmem_shared>> -> memref<16384xf32, #tpu.memory_space<vmem_shared>>
    %dma_wait3A_306 = tpu.memref_slice %arg4[%add3A_291] : memref<1052672xf32, #tpu.memory_space<vmem_shared>> -> memref<16384xf32, #tpu.memory_space<vmem_shared>>
    tpu.wait_dma2 semaphore(%arg10 : memref<!tpu.dma_semaphore, #tpu.memory_space<semaphore_mem>>) src(%arg5 : memref<16384xf32, #tpu.memory_space<vmem>>) dst(%dma_wait3A_306 : memref<16384xf32, #tpu.memory_space<vmem_shared>>)
    %barrier3A_307 = arith.constant 0 : index
    tpu.barrier barrier_id(%barrier3A_307)
    %dma_start3A_308 = arith.constant 0 : i32
    %dma_start3A_309 = arith.constant 0 : i32
    %dma_start3A_310 = tpu.memref_slice %arg8[%dma_start3A_308, %dma_start3A_309] : memref<16x128xi32, #tpu.memory_space<vmem>> -> memref<1x128xi32, #tpu.memory_space<vmem>>
    %dma_start3A_311 = tpu.memref_squeeze %dma_start3A_310 : memref<1x128xi32, #tpu.memory_space<vmem>> -> memref<128xi32, #tpu.memory_space<vmem>>
    %dma_start3A_312 = arith.constant 0 : i32
    %dma_start3A_313 = tpu.memref_slice %arg4[%dma_start3A_312] : memref<1052672xf32, #tpu.memory_space<vmem_shared>> -> memref<1052672xf32, #tpu.memory_space<vmem_shared>>
    tpu.enqueue_indirect_dma source(%arg9 : memref<128xf32, #tpu.memory_space<vmem>>) target(%dma_start3A_313 : memref<1052672xf32, #tpu.memory_space<vmem_shared>>) offsets(%dma_start3A_311 : memref<128xi32, #tpu.memory_space<vmem>>) semaphore(%arg12 : memref<!tpu.dma_semaphore, #tpu.memory_space<semaphore_mem>>) {add = true}
    %dma_start3A_314 = arith.constant 1 : i32
    %dma_start3A_315 = arith.constant 0 : i32
    %dma_start3A_316 = tpu.memref_slice %arg8[%dma_start3A_314, %dma_start3A_315] : memref<16x128xi32, #tpu.memory_space<vmem>> -> memref<1x128xi32, #tpu.memory_space<vmem>>
    %dma_start3A_317 = tpu.memref_squeeze %dma_start3A_316 : memref<1x128xi32, #tpu.memory_space<vmem>> -> memref<128xi32, #tpu.memory_space<vmem>>
    %dma_start3A_318 = arith.constant 0 : i32
    %dma_start3A_319 = tpu.memref_slice %arg4[%dma_start3A_318] : memref<1052672xf32, #tpu.memory_space<vmem_shared>> -> memref<1052672xf32, #tpu.memory_space<vmem_shared>>
    tpu.enqueue_indirect_dma source(%arg9 : memref<128xf32, #tpu.memory_space<vmem>>) target(%dma_start3A_319 : memref<1052672xf32, #tpu.memory_space<vmem_shared>>) offsets(%dma_start3A_317 : memref<128xi32, #tpu.memory_space<vmem>>) semaphore(%arg12 : memref<!tpu.dma_semaphore, #tpu.memory_space<semaphore_mem>>) {add = true}
    %dma_start3A_320 = arith.constant 2 : i32
    %dma_start3A_321 = arith.constant 0 : i32
    %dma_start3A_322 = tpu.memref_slice %arg8[%dma_start3A_320, %dma_start3A_321] : memref<16x128xi32, #tpu.memory_space<vmem>> -> memref<1x128xi32, #tpu.memory_space<vmem>>
    %dma_start3A_323 = tpu.memref_squeeze %dma_start3A_322 : memref<1x128xi32, #tpu.memory_space<vmem>> -> memref<128xi32, #tpu.memory_space<vmem>>
    %dma_start3A_324 = arith.constant 0 : i32
    %dma_start3A_325 = tpu.memref_slice %arg4[%dma_start3A_324] : memref<1052672xf32, #tpu.memory_space<vmem_shared>> -> memref<1052672xf32, #tpu.memory_space<vmem_shared>>
    tpu.enqueue_indirect_dma source(%arg9 : memref<128xf32, #tpu.memory_space<vmem>>) target(%dma_start3A_325 : memref<1052672xf32, #tpu.memory_space<vmem_shared>>) offsets(%dma_start3A_323 : memref<128xi32, #tpu.memory_space<vmem>>) semaphore(%arg12 : memref<!tpu.dma_semaphore, #tpu.memory_space<semaphore_mem>>) {add = true}
    %dma_start3A_326 = arith.constant 3 : i32
    %dma_start3A_327 = arith.constant 0 : i32
    %dma_start3A_328 = tpu.memref_slice %arg8[%dma_start3A_326, %dma_start3A_327] : memref<16x128xi32, #tpu.memory_space<vmem>> -> memref<1x128xi32, #tpu.memory_space<vmem>>
    %dma_start3A_329 = tpu.memref_squeeze %dma_start3A_328 : memref<1x128xi32, #tpu.memory_space<vmem>> -> memref<128xi32, #tpu.memory_space<vmem>>
    %dma_start3A_330 = arith.constant 0 : i32
    %dma_start3A_331 = tpu.memref_slice %arg4[%dma_start3A_330] : memref<1052672xf32, #tpu.memory_space<vmem_shared>> -> memref<1052672xf32, #tpu.memory_space<vmem_shared>>
    tpu.enqueue_indirect_dma source(%arg9 : memref<128xf32, #tpu.memory_space<vmem>>) target(%dma_start3A_331 : memref<1052672xf32, #tpu.memory_space<vmem_shared>>) offsets(%dma_start3A_329 : memref<128xi32, #tpu.memory_space<vmem>>) semaphore(%arg12 : memref<!tpu.dma_semaphore, #tpu.memory_space<semaphore_mem>>) {add = true}
    %dma_start3A_332 = arith.constant 4 : i32
    %dma_start3A_333 = arith.constant 0 : i32
    %dma_start3A_334 = tpu.memref_slice %arg8[%dma_start3A_332, %dma_start3A_333] : memref<16x128xi32, #tpu.memory_space<vmem>> -> memref<1x128xi32, #tpu.memory_space<vmem>>
    %dma_start3A_335 = tpu.memref_squeeze %dma_start3A_334 : memref<1x128xi32, #tpu.memory_space<vmem>> -> memref<128xi32, #tpu.memory_space<vmem>>
    %dma_start3A_336 = arith.constant 0 : i32
    %dma_start3A_337 = tpu.memref_slice %arg4[%dma_start3A_336] : memref<1052672xf32, #tpu.memory_space<vmem_shared>> -> memref<1052672xf32, #tpu.memory_space<vmem_shared>>
    tpu.enqueue_indirect_dma source(%arg9 : memref<128xf32, #tpu.memory_space<vmem>>) target(%dma_start3A_337 : memref<1052672xf32, #tpu.memory_space<vmem_shared>>) offsets(%dma_start3A_335 : memref<128xi32, #tpu.memory_space<vmem>>) semaphore(%arg12 : memref<!tpu.dma_semaphore, #tpu.memory_space<semaphore_mem>>) {add = true}
    %dma_start3A_338 = arith.constant 5 : i32
    %dma_start3A_339 = arith.constant 0 : i32
    %dma_start3A_340 = tpu.memref_slice %arg8[%dma_start3A_338, %dma_start3A_339] : memref<16x128xi32, #tpu.memory_space<vmem>> -> memref<1x128xi32, #tpu.memory_space<vmem>>
    %dma_start3A_341 = tpu.memref_squeeze %dma_start3A_340 : memref<1x128xi32, #tpu.memory_space<vmem>> -> memref<128xi32, #tpu.memory_space<vmem>>
    %dma_start3A_342 = arith.constant 0 : i32
    %dma_start3A_343 = tpu.memref_slice %arg4[%dma_start3A_342] : memref<1052672xf32, #tpu.memory_space<vmem_shared>> -> memref<1052672xf32, #tpu.memory_space<vmem_shared>>
    tpu.enqueue_indirect_dma source(%arg9 : memref<128xf32, #tpu.memory_space<vmem>>) target(%dma_start3A_343 : memref<1052672xf32, #tpu.memory_space<vmem_shared>>) offsets(%dma_start3A_341 : memref<128xi32, #tpu.memory_space<vmem>>) semaphore(%arg12 : memref<!tpu.dma_semaphore, #tpu.memory_space<semaphore_mem>>) {add = true}
    %dma_start3A_344 = arith.constant 6 : i32
    %dma_start3A_345 = arith.constant 0 : i32
    %dma_start3A_346 = tpu.memref_slice %arg8[%dma_start3A_344, %dma_start3A_345] : memref<16x128xi32, #tpu.memory_space<vmem>> -> memref<1x128xi32, #tpu.memory_space<vmem>>
    %dma_start3A_347 = tpu.memref_squeeze %dma_start3A_346 : memref<1x128xi32, #tpu.memory_space<vmem>> -> memref<128xi32, #tpu.memory_space<vmem>>
    %dma_start3A_348 = arith.constant 0 : i32
    %dma_start3A_349 = tpu.memref_slice %arg4[%dma_start3A_348] : memref<1052672xf32, #tpu.memory_space<vmem_shared>> -> memref<1052672xf32, #tpu.memory_space<vmem_shared>>
    tpu.enqueue_indirect_dma source(%arg9 : memref<128xf32, #tpu.memory_space<vmem>>) target(%dma_start3A_349 : memref<1052672xf32, #tpu.memory_space<vmem_shared>>) offsets(%dma_start3A_347 : memref<128xi32, #tpu.memory_space<vmem>>) semaphore(%arg12 : memref<!tpu.dma_semaphore, #tpu.memory_space<semaphore_mem>>) {add = true}
    %dma_start3A_350 = arith.constant 7 : i32
    %dma_start3A_351 = arith.constant 0 : i32
    %dma_start3A_352 = tpu.memref_slice %arg8[%dma_start3A_350, %dma_start3A_351] : memref<16x128xi32, #tpu.memory_space<vmem>> -> memref<1x128xi32, #tpu.memory_space<vmem>>
    %dma_start3A_353 = tpu.memref_squeeze %dma_start3A_352 : memref<1x128xi32, #tpu.memory_space<vmem>> -> memref<128xi32, #tpu.memory_space<vmem>>
    %dma_start3A_354 = arith.constant 0 : i32
    %dma_start3A_355 = tpu.memref_slice %arg4[%dma_start3A_354] : memref<1052672xf32, #tpu.memory_space<vmem_shared>> -> memref<1052672xf32, #tpu.memory_space<vmem_shared>>
    tpu.enqueue_indirect_dma source(%arg9 : memref<128xf32, #tpu.memory_space<vmem>>) target(%dma_start3A_355 : memref<1052672xf32, #tpu.memory_space<vmem_shared>>) offsets(%dma_start3A_353 : memref<128xi32, #tpu.memory_space<vmem>>) semaphore(%arg12 : memref<!tpu.dma_semaphore, #tpu.memory_space<semaphore_mem>>) {add = true}
    %dma_start3A_356 = arith.constant 8 : i32
    %dma_start3A_357 = arith.constant 0 : i32
    %dma_start3A_358 = tpu.memref_slice %arg8[%dma_start3A_356, %dma_start3A_357] : memref<16x128xi32, #tpu.memory_space<vmem>> -> memref<1x128xi32, #tpu.memory_space<vmem>>
    %dma_start3A_359 = tpu.memref_squeeze %dma_start3A_358 : memref<1x128xi32, #tpu.memory_space<vmem>> -> memref<128xi32, #tpu.memory_space<vmem>>
    %dma_start3A_360 = arith.constant 0 : i32
    %dma_start3A_361 = tpu.memref_slice %arg4[%dma_start3A_360] : memref<1052672xf32, #tpu.memory_space<vmem_shared>> -> memref<1052672xf32, #tpu.memory_space<vmem_shared>>
    tpu.enqueue_indirect_dma source(%arg9 : memref<128xf32, #tpu.memory_space<vmem>>) target(%dma_start3A_361 : memref<1052672xf32, #tpu.memory_space<vmem_shared>>) offsets(%dma_start3A_359 : memref<128xi32, #tpu.memory_space<vmem>>) semaphore(%arg12 : memref<!tpu.dma_semaphore, #tpu.memory_space<semaphore_mem>>) {add = true}
    %dma_start3A_362 = arith.constant 9 : i32
    %dma_start3A_363 = arith.constant 0 : i32
    %dma_start3A_364 = tpu.memref_slice %arg8[%dma_start3A_362, %dma_start3A_363] : memref<16x128xi32, #tpu.memory_space<vmem>> -> memref<1x128xi32, #tpu.memory_space<vmem>>
    %dma_start3A_365 = tpu.memref_squeeze %dma_start3A_364 : memref<1x128xi32, #tpu.memory_space<vmem>> -> memref<128xi32, #tpu.memory_space<vmem>>
    %dma_start3A_366 = arith.constant 0 : i32
    %dma_start3A_367 = tpu.memref_slice %arg4[%dma_start3A_366] : memref<1052672xf32, #tpu.memory_space<vmem_shared>> -> memref<1052672xf32, #tpu.memory_space<vmem_shared>>
    tpu.enqueue_indirect_dma source(%arg9 : memref<128xf32, #tpu.memory_space<vmem>>) target(%dma_start3A_367 : memref<1052672xf32, #tpu.memory_space<vmem_shared>>) offsets(%dma_start3A_365 : memref<128xi32, #tpu.memory_space<vmem>>) semaphore(%arg12 : memref<!tpu.dma_semaphore, #tpu.memory_space<semaphore_mem>>) {add = true}
    %dma_start3A_368 = arith.constant 10 : i32
    %dma_start3A_369 = arith.constant 0 : i32
    %dma_start3A_370 = tpu.memref_slice %arg8[%dma_start3A_368, %dma_start3A_369] : memref<16x128xi32, #tpu.memory_space<vmem>> -> memref<1x128xi32, #tpu.memory_space<vmem>>
    %dma_start3A_371 = tpu.memref_squeeze %dma_start3A_370 : memref<1x128xi32, #tpu.memory_space<vmem>> -> memref<128xi32, #tpu.memory_space<vmem>>
    %dma_start3A_372 = arith.constant 0 : i32
    %dma_start3A_373 = tpu.memref_slice %arg4[%dma_start3A_372] : memref<1052672xf32, #tpu.memory_space<vmem_shared>> -> memref<1052672xf32, #tpu.memory_space<vmem_shared>>
    tpu.enqueue_indirect_dma source(%arg9 : memref<128xf32, #tpu.memory_space<vmem>>) target(%dma_start3A_373 : memref<1052672xf32, #tpu.memory_space<vmem_shared>>) offsets(%dma_start3A_371 : memref<128xi32, #tpu.memory_space<vmem>>) semaphore(%arg12 : memref<!tpu.dma_semaphore, #tpu.memory_space<semaphore_mem>>) {add = true}
    %dma_start3A_374 = arith.constant 11 : i32
    %dma_start3A_375 = arith.constant 0 : i32
    %dma_start3A_376 = tpu.memref_slice %arg8[%dma_start3A_374, %dma_start3A_375] : memref<16x128xi32, #tpu.memory_space<vmem>> -> memref<1x128xi32, #tpu.memory_space<vmem>>
    %dma_start3A_377 = tpu.memref_squeeze %dma_start3A_376 : memref<1x128xi32, #tpu.memory_space<vmem>> -> memref<128xi32, #tpu.memory_space<vmem>>
    %dma_start3A_378 = arith.constant 0 : i32
    %dma_start3A_379 = tpu.memref_slice %arg4[%dma_start3A_378] : memref<1052672xf32, #tpu.memory_space<vmem_shared>> -> memref<1052672xf32, #tpu.memory_space<vmem_shared>>
    tpu.enqueue_indirect_dma source(%arg9 : memref<128xf32, #tpu.memory_space<vmem>>) target(%dma_start3A_379 : memref<1052672xf32, #tpu.memory_space<vmem_shared>>) offsets(%dma_start3A_377 : memref<128xi32, #tpu.memory_space<vmem>>) semaphore(%arg12 : memref<!tpu.dma_semaphore, #tpu.memory_space<semaphore_mem>>) {add = true}
    %dma_start3A_380 = arith.constant 12 : i32
    %dma_start3A_381 = arith.constant 0 : i32
    %dma_start3A_382 = tpu.memref_slice %arg8[%dma_start3A_380, %dma_start3A_381] : memref<16x128xi32, #tpu.memory_space<vmem>> -> memref<1x128xi32, #tpu.memory_space<vmem>>
    %dma_start3A_383 = tpu.memref_squeeze %dma_start3A_382 : memref<1x128xi32, #tpu.memory_space<vmem>> -> memref<128xi32, #tpu.memory_space<vmem>>
    %dma_start3A_384 = arith.constant 0 : i32
    %dma_start3A_385 = tpu.memref_slice %arg4[%dma_start3A_384] : memref<1052672xf32, #tpu.memory_space<vmem_shared>> -> memref<1052672xf32, #tpu.memory_space<vmem_shared>>
    tpu.enqueue_indirect_dma source(%arg9 : memref<128xf32, #tpu.memory_space<vmem>>) target(%dma_start3A_385 : memref<1052672xf32, #tpu.memory_space<vmem_shared>>) offsets(%dma_start3A_383 : memref<128xi32, #tpu.memory_space<vmem>>) semaphore(%arg12 : memref<!tpu.dma_semaphore, #tpu.memory_space<semaphore_mem>>) {add = true}
    %dma_start3A_386 = arith.constant 13 : i32
    %dma_start3A_387 = arith.constant 0 : i32
    %dma_start3A_388 = tpu.memref_slice %arg8[%dma_start3A_386, %dma_start3A_387] : memref<16x128xi32, #tpu.memory_space<vmem>> -> memref<1x128xi32, #tpu.memory_space<vmem>>
    %dma_start3A_389 = tpu.memref_squeeze %dma_start3A_388 : memref<1x128xi32, #tpu.memory_space<vmem>> -> memref<128xi32, #tpu.memory_space<vmem>>
    %dma_start3A_390 = arith.constant 0 : i32
    %dma_start3A_391 = tpu.memref_slice %arg4[%dma_start3A_390] : memref<1052672xf32, #tpu.memory_space<vmem_shared>> -> memref<1052672xf32, #tpu.memory_space<vmem_shared>>
    tpu.enqueue_indirect_dma source(%arg9 : memref<128xf32, #tpu.memory_space<vmem>>) target(%dma_start3A_391 : memref<1052672xf32, #tpu.memory_space<vmem_shared>>) offsets(%dma_start3A_389 : memref<128xi32, #tpu.memory_space<vmem>>) semaphore(%arg12 : memref<!tpu.dma_semaphore, #tpu.memory_space<semaphore_mem>>) {add = true}
    %dma_start3A_392 = arith.constant 14 : i32
    %dma_start3A_393 = arith.constant 0 : i32
    %dma_start3A_394 = tpu.memref_slice %arg8[%dma_start3A_392, %dma_start3A_393] : memref<16x128xi32, #tpu.memory_space<vmem>> -> memref<1x128xi32, #tpu.memory_space<vmem>>
    %dma_start3A_395 = tpu.memref_squeeze %dma_start3A_394 : memref<1x128xi32, #tpu.memory_space<vmem>> -> memref<128xi32, #tpu.memory_space<vmem>>
    %dma_start3A_396 = arith.constant 0 : i32
    %dma_start3A_397 = tpu.memref_slice %arg4[%dma_start3A_396] : memref<1052672xf32, #tpu.memory_space<vmem_shared>> -> memref<1052672xf32, #tpu.memory_space<vmem_shared>>
    tpu.enqueue_indirect_dma source(%arg9 : memref<128xf32, #tpu.memory_space<vmem>>) target(%dma_start3A_397 : memref<1052672xf32, #tpu.memory_space<vmem_shared>>) offsets(%dma_start3A_395 : memref<128xi32, #tpu.memory_space<vmem>>) semaphore(%arg12 : memref<!tpu.dma_semaphore, #tpu.memory_space<semaphore_mem>>) {add = true}
    %dma_start3A_398 = arith.constant 15 : i32
    %dma_start3A_399 = arith.constant 0 : i32
    %dma_start3A_400 = tpu.memref_slice %arg8[%dma_start3A_398, %dma_start3A_399] : memref<16x128xi32, #tpu.memory_space<vmem>> -> memref<1x128xi32, #tpu.memory_space<vmem>>
    %dma_start3A_401 = tpu.memref_squeeze %dma_start3A_400 : memref<1x128xi32, #tpu.memory_space<vmem>> -> memref<128xi32, #tpu.memory_space<vmem>>
    %dma_start3A_402 = arith.constant 0 : i32
    %dma_start3A_403 = tpu.memref_slice %arg4[%dma_start3A_402] : memref<1052672xf32, #tpu.memory_space<vmem_shared>> -> memref<1052672xf32, #tpu.memory_space<vmem_shared>>
    tpu.enqueue_indirect_dma source(%arg9 : memref<128xf32, #tpu.memory_space<vmem>>) target(%dma_start3A_403 : memref<1052672xf32, #tpu.memory_space<vmem_shared>>) offsets(%dma_start3A_401 : memref<128xi32, #tpu.memory_space<vmem>>) semaphore(%arg12 : memref<!tpu.dma_semaphore, #tpu.memory_space<semaphore_mem>>) {add = true}
    %dma_wait3A_404 = arith.constant 0 : i32
    %dma_wait3A_405 = arith.constant 0 : i32
    %dma_wait3A_406 = tpu.memref_slice %arg8[%dma_wait3A_404, %dma_wait3A_405] : memref<16x128xi32, #tpu.memory_space<vmem>> -> memref<1x128xi32, #tpu.memory_space<vmem>>
    %dma_wait3A_407 = tpu.memref_squeeze %dma_wait3A_406 : memref<1x128xi32, #tpu.memory_space<vmem>> -> memref<128xi32, #tpu.memory_space<vmem>>
    %dma_wait3A_408 = arith.constant 0 : i32
    %dma_wait3A_409 = tpu.memref_slice %arg4[%dma_wait3A_408] : memref<1052672xf32, #tpu.memory_space<vmem_shared>> -> memref<1052672xf32, #tpu.memory_space<vmem_shared>>
    tpu.wait_indirect_dma semaphore(%arg12 : memref<!tpu.dma_semaphore, #tpu.memory_space<semaphore_mem>>) src(%arg9 : memref<128xf32, #tpu.memory_space<vmem>>) dst(%dma_wait3A_409 : memref<1052672xf32, #tpu.memory_space<vmem_shared>>)
    %dma_wait3A_410 = arith.constant 1 : i32
    %dma_wait3A_411 = arith.constant 0 : i32
    %dma_wait3A_412 = tpu.memref_slice %arg8[%dma_wait3A_410, %dma_wait3A_411] : memref<16x128xi32, #tpu.memory_space<vmem>> -> memref<1x128xi32, #tpu.memory_space<vmem>>
    %dma_wait3A_413 = tpu.memref_squeeze %dma_wait3A_412 : memref<1x128xi32, #tpu.memory_space<vmem>> -> memref<128xi32, #tpu.memory_space<vmem>>
    %dma_wait3A_414 = arith.constant 0 : i32
    %dma_wait3A_415 = tpu.memref_slice %arg4[%dma_wait3A_414] : memref<1052672xf32, #tpu.memory_space<vmem_shared>> -> memref<1052672xf32, #tpu.memory_space<vmem_shared>>
    tpu.wait_indirect_dma semaphore(%arg12 : memref<!tpu.dma_semaphore, #tpu.memory_space<semaphore_mem>>) src(%arg9 : memref<128xf32, #tpu.memory_space<vmem>>) dst(%dma_wait3A_415 : memref<1052672xf32, #tpu.memory_space<vmem_shared>>)
    %dma_wait3A_416 = arith.constant 2 : i32
    %dma_wait3A_417 = arith.constant 0 : i32
    %dma_wait3A_418 = tpu.memref_slice %arg8[%dma_wait3A_416, %dma_wait3A_417] : memref<16x128xi32, #tpu.memory_space<vmem>> -> memref<1x128xi32, #tpu.memory_space<vmem>>
    %dma_wait3A_419 = tpu.memref_squeeze %dma_wait3A_418 : memref<1x128xi32, #tpu.memory_space<vmem>> -> memref<128xi32, #tpu.memory_space<vmem>>
    %dma_wait3A_420 = arith.constant 0 : i32
    %dma_wait3A_421 = tpu.memref_slice %arg4[%dma_wait3A_420] : memref<1052672xf32, #tpu.memory_space<vmem_shared>> -> memref<1052672xf32, #tpu.memory_space<vmem_shared>>
    tpu.wait_indirect_dma semaphore(%arg12 : memref<!tpu.dma_semaphore, #tpu.memory_space<semaphore_mem>>) src(%arg9 : memref<128xf32, #tpu.memory_space<vmem>>) dst(%dma_wait3A_421 : memref<1052672xf32, #tpu.memory_space<vmem_shared>>)
    %dma_wait3A_422 = arith.constant 3 : i32
    %dma_wait3A_423 = arith.constant 0 : i32
    %dma_wait3A_424 = tpu.memref_slice %arg8[%dma_wait3A_422, %dma_wait3A_423] : memref<16x128xi32, #tpu.memory_space<vmem>> -> memref<1x128xi32, #tpu.memory_space<vmem>>
    %dma_wait3A_425 = tpu.memref_squeeze %dma_wait3A_424 : memref<1x128xi32, #tpu.memory_space<vmem>> -> memref<128xi32, #tpu.memory_space<vmem>>
    %dma_wait3A_426 = arith.constant 0 : i32
    %dma_wait3A_427 = tpu.memref_slice %arg4[%dma_wait3A_426] : memref<1052672xf32, #tpu.memory_space<vmem_shared>> -> memref<1052672xf32, #tpu.memory_space<vmem_shared>>
    tpu.wait_indirect_dma semaphore(%arg12 : memref<!tpu.dma_semaphore, #tpu.memory_space<semaphore_mem>>) src(%arg9 : memref<128xf32, #tpu.memory_space<vmem>>) dst(%dma_wait3A_427 : memref<1052672xf32, #tpu.memory_space<vmem_shared>>)
    %dma_wait3A_428 = arith.constant 4 : i32
    %dma_wait3A_429 = arith.constant 0 : i32
    %dma_wait3A_430 = tpu.memref_slice %arg8[%dma_wait3A_428, %dma_wait3A_429] : memref<16x128xi32, #tpu.memory_space<vmem>> -> memref<1x128xi32, #tpu.memory_space<vmem>>
    %dma_wait3A_431 = tpu.memref_squeeze %dma_wait3A_430 : memref<1x128xi32, #tpu.memory_space<vmem>> -> memref<128xi32, #tpu.memory_space<vmem>>
    %dma_wait3A_432 = arith.constant 0 : i32
    %dma_wait3A_433 = tpu.memref_slice %arg4[%dma_wait3A_432] : memref<1052672xf32, #tpu.memory_space<vmem_shared>> -> memref<1052672xf32, #tpu.memory_space<vmem_shared>>
    tpu.wait_indirect_dma semaphore(%arg12 : memref<!tpu.dma_semaphore, #tpu.memory_space<semaphore_mem>>) src(%arg9 : memref<128xf32, #tpu.memory_space<vmem>>) dst(%dma_wait3A_433 : memref<1052672xf32, #tpu.memory_space<vmem_shared>>)
    %dma_wait3A_434 = arith.constant 5 : i32
    %dma_wait3A_435 = arith.constant 0 : i32
    %dma_wait3A_436 = tpu.memref_slice %arg8[%dma_wait3A_434, %dma_wait3A_435] : memref<16x128xi32, #tpu.memory_space<vmem>> -> memref<1x128xi32, #tpu.memory_space<vmem>>
    %dma_wait3A_437 = tpu.memref_squeeze %dma_wait3A_436 : memref<1x128xi32, #tpu.memory_space<vmem>> -> memref<128xi32, #tpu.memory_space<vmem>>
    %dma_wait3A_438 = arith.constant 0 : i32
    %dma_wait3A_439 = tpu.memref_slice %arg4[%dma_wait3A_438] : memref<1052672xf32, #tpu.memory_space<vmem_shared>> -> memref<1052672xf32, #tpu.memory_space<vmem_shared>>
    tpu.wait_indirect_dma semaphore(%arg12 : memref<!tpu.dma_semaphore, #tpu.memory_space<semaphore_mem>>) src(%arg9 : memref<128xf32, #tpu.memory_space<vmem>>) dst(%dma_wait3A_439 : memref<1052672xf32, #tpu.memory_space<vmem_shared>>)
    %dma_wait3A_440 = arith.constant 6 : i32
    %dma_wait3A_441 = arith.constant 0 : i32
    %dma_wait3A_442 = tpu.memref_slice %arg8[%dma_wait3A_440, %dma_wait3A_441] : memref<16x128xi32, #tpu.memory_space<vmem>> -> memref<1x128xi32, #tpu.memory_space<vmem>>
    %dma_wait3A_443 = tpu.memref_squeeze %dma_wait3A_442 : memref<1x128xi32, #tpu.memory_space<vmem>> -> memref<128xi32, #tpu.memory_space<vmem>>
    %dma_wait3A_444 = arith.constant 0 : i32
    %dma_wait3A_445 = tpu.memref_slice %arg4[%dma_wait3A_444] : memref<1052672xf32, #tpu.memory_space<vmem_shared>> -> memref<1052672xf32, #tpu.memory_space<vmem_shared>>
    tpu.wait_indirect_dma semaphore(%arg12 : memref<!tpu.dma_semaphore, #tpu.memory_space<semaphore_mem>>) src(%arg9 : memref<128xf32, #tpu.memory_space<vmem>>) dst(%dma_wait3A_445 : memref<1052672xf32, #tpu.memory_space<vmem_shared>>)
    %dma_wait3A_446 = arith.constant 7 : i32
    %dma_wait3A_447 = arith.constant 0 : i32
    %dma_wait3A_448 = tpu.memref_slice %arg8[%dma_wait3A_446, %dma_wait3A_447] : memref<16x128xi32, #tpu.memory_space<vmem>> -> memref<1x128xi32, #tpu.memory_space<vmem>>
    %dma_wait3A_449 = tpu.memref_squeeze %dma_wait3A_448 : memref<1x128xi32, #tpu.memory_space<vmem>> -> memref<128xi32, #tpu.memory_space<vmem>>
    %dma_wait3A_450 = arith.constant 0 : i32
    %dma_wait3A_451 = tpu.memref_slice %arg4[%dma_wait3A_450] : memref<1052672xf32, #tpu.memory_space<vmem_shared>> -> memref<1052672xf32, #tpu.memory_space<vmem_shared>>
    tpu.wait_indirect_dma semaphore(%arg12 : memref<!tpu.dma_semaphore, #tpu.memory_space<semaphore_mem>>) src(%arg9 : memref<128xf32, #tpu.memory_space<vmem>>) dst(%dma_wait3A_451 : memref<1052672xf32, #tpu.memory_space<vmem_shared>>)
    %dma_wait3A_452 = arith.constant 8 : i32
    %dma_wait3A_453 = arith.constant 0 : i32
    %dma_wait3A_454 = tpu.memref_slice %arg8[%dma_wait3A_452, %dma_wait3A_453] : memref<16x128xi32, #tpu.memory_space<vmem>> -> memref<1x128xi32, #tpu.memory_space<vmem>>
    %dma_wait3A_455 = tpu.memref_squeeze %dma_wait3A_454 : memref<1x128xi32, #tpu.memory_space<vmem>> -> memref<128xi32, #tpu.memory_space<vmem>>
    %dma_wait3A_456 = arith.constant 0 : i32
    %dma_wait3A_457 = tpu.memref_slice %arg4[%dma_wait3A_456] : memref<1052672xf32, #tpu.memory_space<vmem_shared>> -> memref<1052672xf32, #tpu.memory_space<vmem_shared>>
    tpu.wait_indirect_dma semaphore(%arg12 : memref<!tpu.dma_semaphore, #tpu.memory_space<semaphore_mem>>) src(%arg9 : memref<128xf32, #tpu.memory_space<vmem>>) dst(%dma_wait3A_457 : memref<1052672xf32, #tpu.memory_space<vmem_shared>>)
    %dma_wait3A_458 = arith.constant 9 : i32
    %dma_wait3A_459 = arith.constant 0 : i32
    %dma_wait3A_460 = tpu.memref_slice %arg8[%dma_wait3A_458, %dma_wait3A_459] : memref<16x128xi32, #tpu.memory_space<vmem>> -> memref<1x128xi32, #tpu.memory_space<vmem>>
    %dma_wait3A_461 = tpu.memref_squeeze %dma_wait3A_460 : memref<1x128xi32, #tpu.memory_space<vmem>> -> memref<128xi32, #tpu.memory_space<vmem>>
    %dma_wait3A_462 = arith.constant 0 : i32
    %dma_wait3A_463 = tpu.memref_slice %arg4[%dma_wait3A_462] : memref<1052672xf32, #tpu.memory_space<vmem_shared>> -> memref<1052672xf32, #tpu.memory_space<vmem_shared>>
    tpu.wait_indirect_dma semaphore(%arg12 : memref<!tpu.dma_semaphore, #tpu.memory_space<semaphore_mem>>) src(%arg9 : memref<128xf32, #tpu.memory_space<vmem>>) dst(%dma_wait3A_463 : memref<1052672xf32, #tpu.memory_space<vmem_shared>>)
    %dma_wait3A_464 = arith.constant 10 : i32
    %dma_wait3A_465 = arith.constant 0 : i32
    %dma_wait3A_466 = tpu.memref_slice %arg8[%dma_wait3A_464, %dma_wait3A_465] : memref<16x128xi32, #tpu.memory_space<vmem>> -> memref<1x128xi32, #tpu.memory_space<vmem>>
    %dma_wait3A_467 = tpu.memref_squeeze %dma_wait3A_466 : memref<1x128xi32, #tpu.memory_space<vmem>> -> memref<128xi32, #tpu.memory_space<vmem>>
    %dma_wait3A_468 = arith.constant 0 : i32
    %dma_wait3A_469 = tpu.memref_slice %arg4[%dma_wait3A_468] : memref<1052672xf32, #tpu.memory_space<vmem_shared>> -> memref<1052672xf32, #tpu.memory_space<vmem_shared>>
    tpu.wait_indirect_dma semaphore(%arg12 : memref<!tpu.dma_semaphore, #tpu.memory_space<semaphore_mem>>) src(%arg9 : memref<128xf32, #tpu.memory_space<vmem>>) dst(%dma_wait3A_469 : memref<1052672xf32, #tpu.memory_space<vmem_shared>>)
    %dma_wait3A_470 = arith.constant 11 : i32
    %dma_wait3A_471 = arith.constant 0 : i32
    %dma_wait3A_472 = tpu.memref_slice %arg8[%dma_wait3A_470, %dma_wait3A_471] : memref<16x128xi32, #tpu.memory_space<vmem>> -> memref<1x128xi32, #tpu.memory_space<vmem>>
    %dma_wait3A_473 = tpu.memref_squeeze %dma_wait3A_472 : memref<1x128xi32, #tpu.memory_space<vmem>> -> memref<128xi32, #tpu.memory_space<vmem>>
    %dma_wait3A_474 = arith.constant 0 : i32
    %dma_wait3A_475 = tpu.memref_slice %arg4[%dma_wait3A_474] : memref<1052672xf32, #tpu.memory_space<vmem_shared>> -> memref<1052672xf32, #tpu.memory_space<vmem_shared>>
    tpu.wait_indirect_dma semaphore(%arg12 : memref<!tpu.dma_semaphore, #tpu.memory_space<semaphore_mem>>) src(%arg9 : memref<128xf32, #tpu.memory_space<vmem>>) dst(%dma_wait3A_475 : memref<1052672xf32, #tpu.memory_space<vmem_shared>>)
    %dma_wait3A_476 = arith.constant 12 : i32
    %dma_wait3A_477 = arith.constant 0 : i32
    %dma_wait3A_478 = tpu.memref_slice %arg8[%dma_wait3A_476, %dma_wait3A_477] : memref<16x128xi32, #tpu.memory_space<vmem>> -> memref<1x128xi32, #tpu.memory_space<vmem>>
    %dma_wait3A_479 = tpu.memref_squeeze %dma_wait3A_478 : memref<1x128xi32, #tpu.memory_space<vmem>> -> memref<128xi32, #tpu.memory_space<vmem>>
    %dma_wait3A_480 = arith.constant 0 : i32
    %dma_wait3A_481 = tpu.memref_slice %arg4[%dma_wait3A_480] : memref<1052672xf32, #tpu.memory_space<vmem_shared>> -> memref<1052672xf32, #tpu.memory_space<vmem_shared>>
    tpu.wait_indirect_dma semaphore(%arg12 : memref<!tpu.dma_semaphore, #tpu.memory_space<semaphore_mem>>) src(%arg9 : memref<128xf32, #tpu.memory_space<vmem>>) dst(%dma_wait3A_481 : memref<1052672xf32, #tpu.memory_space<vmem_shared>>)
    %dma_wait3A_482 = arith.constant 13 : i32
    %dma_wait3A_483 = arith.constant 0 : i32
    %dma_wait3A_484 = tpu.memref_slice %arg8[%dma_wait3A_482, %dma_wait3A_483] : memref<16x128xi32, #tpu.memory_space<vmem>> -> memref<1x128xi32, #tpu.memory_space<vmem>>
    %dma_wait3A_485 = tpu.memref_squeeze %dma_wait3A_484 : memref<1x128xi32, #tpu.memory_space<vmem>> -> memref<128xi32, #tpu.memory_space<vmem>>
    %dma_wait3A_486 = arith.constant 0 : i32
    %dma_wait3A_487 = tpu.memref_slice %arg4[%dma_wait3A_486] : memref<1052672xf32, #tpu.memory_space<vmem_shared>> -> memref<1052672xf32, #tpu.memory_space<vmem_shared>>
    tpu.wait_indirect_dma semaphore(%arg12 : memref<!tpu.dma_semaphore, #tpu.memory_space<semaphore_mem>>) src(%arg9 : memref<128xf32, #tpu.memory_space<vmem>>) dst(%dma_wait3A_487 : memref<1052672xf32, #tpu.memory_space<vmem_shared>>)
    %dma_wait3A_488 = arith.constant 14 : i32
    %dma_wait3A_489 = arith.constant 0 : i32
    %dma_wait3A_490 = tpu.memref_slice %arg8[%dma_wait3A_488, %dma_wait3A_489] : memref<16x128xi32, #tpu.memory_space<vmem>> -> memref<1x128xi32, #tpu.memory_space<vmem>>
    %dma_wait3A_491 = tpu.memref_squeeze %dma_wait3A_490 : memref<1x128xi32, #tpu.memory_space<vmem>> -> memref<128xi32, #tpu.memory_space<vmem>>
    %dma_wait3A_492 = arith.constant 0 : i32
    %dma_wait3A_493 = tpu.memref_slice %arg4[%dma_wait3A_492] : memref<1052672xf32, #tpu.memory_space<vmem_shared>> -> memref<1052672xf32, #tpu.memory_space<vmem_shared>>
    tpu.wait_indirect_dma semaphore(%arg12 : memref<!tpu.dma_semaphore, #tpu.memory_space<semaphore_mem>>) src(%arg9 : memref<128xf32, #tpu.memory_space<vmem>>) dst(%dma_wait3A_493 : memref<1052672xf32, #tpu.memory_space<vmem_shared>>)
    %dma_wait3A_494 = arith.constant 15 : i32
    %dma_wait3A_495 = arith.constant 0 : i32
    %dma_wait3A_496 = tpu.memref_slice %arg8[%dma_wait3A_494, %dma_wait3A_495] : memref<16x128xi32, #tpu.memory_space<vmem>> -> memref<1x128xi32, #tpu.memory_space<vmem>>
    %dma_wait3A_497 = tpu.memref_squeeze %dma_wait3A_496 : memref<1x128xi32, #tpu.memory_space<vmem>> -> memref<128xi32, #tpu.memory_space<vmem>>
    %dma_wait3A_498 = arith.constant 0 : i32
    %dma_wait3A_499 = tpu.memref_slice %arg4[%dma_wait3A_498] : memref<1052672xf32, #tpu.memory_space<vmem_shared>> -> memref<1052672xf32, #tpu.memory_space<vmem_shared>>
    tpu.wait_indirect_dma semaphore(%arg12 : memref<!tpu.dma_semaphore, #tpu.memory_space<semaphore_mem>>) src(%arg9 : memref<128xf32, #tpu.memory_space<vmem>>) dst(%dma_wait3A_499 : memref<1052672xf32, #tpu.memory_space<vmem_shared>>)
    %barrier3A_500 = arith.constant 0 : index
    tpu.barrier barrier_id(%barrier3A_500)
    %mul3A_501 = arith.constant 65536 : i32
    %mul3A_502 = arith.muli %arg1, %mul3A_501 : i32
    %mul3A_503 = arith.constant 65536 : i32
    %mul3A_504 = arith.muli %arg1, %mul3A_503 : i32
    %add3A_505 = arith.addi %add3A_269, %mul3A_504 : i32
    %dma_start3A_506 = tpu.memref_slice %arg3[%add3A_505] : memref<4194304xf32, #tpu.memory_space<hbm>> -> memref<65536xf32, #tpu.memory_space<hbm>>
    %dma_start3A_507 = tpu.memref_slice %arg4[%mul3A_502] : memref<1052672xf32, #tpu.memory_space<vmem_shared>> -> memref<65536xf32, #tpu.memory_space<vmem_shared>>
    tpu.enqueue_dma source(%dma_start3A_507 : memref<65536xf32, #tpu.memory_space<vmem_shared>>) target(%dma_start3A_506 : memref<65536xf32, #tpu.memory_space<hbm>>) target_semaphore(%arg13 : memref<!tpu.dma_semaphore, #tpu.memory_space<semaphore_mem>>)
    %dma_wait3A_508 = tpu.memref_slice %arg3[%add3A_505] : memref<4194304xf32, #tpu.memory_space<hbm>> -> memref<65536xf32, #tpu.memory_space<hbm>>
    %dma_wait3A_509 = tpu.memref_slice %arg4[%mul3A_502] : memref<1052672xf32, #tpu.memory_space<vmem_shared>> -> memref<65536xf32, #tpu.memory_space<vmem_shared>>
    tpu.wait_dma2 semaphore(%arg13 : memref<!tpu.dma_semaphore, #tpu.memory_space<semaphore_mem>>) src(%dma_wait3A_509 : memref<65536xf32, #tpu.memory_space<vmem_shared>>) dst(%dma_wait3A_508 : memref<65536xf32, #tpu.memory_space<hbm>>)
    %barrier3A_510 = arith.constant 0 : index
    tpu.barrier barrier_id(%barrier3A_510)
    return
  }
}

#map = affine_map<(d0, d1) -> (0)>
module attributes {stable_mosaic.version = 14 : i64} {
  func.func @gather_kernel(%arg0: i32, %arg1: i32, %arg2: memref<65536xi32, #tpu.memory_space<hbm>>, %arg3: memref<2048xi32, #tpu.memory_space<hbm>>, %arg4: memref<2048xi32, #tpu.memory_space<hbm>>, %arg5: memref<64xi32, #tpu.memory_space<vmem>>, %arg6: memref<64xi32, #tpu.memory_space<vmem>>, %arg7: memref<!tpu.dma_semaphore, #tpu.memory_space<semaphore_mem>>) attributes {dimension_semantics = [#tpu.dimension_semantics<core_parallel>, #tpu.dimension_semantics<subcore_parallel>], iteration_bounds = array<i64: 2, 16>, scalar_prefetch = 0 : i64, scratch_operands = 3 : i64, tpu.core_type = #tpu.core_type<sc_vector_subcore>, window_params = [{transform_indices = #map}, {transform_indices = #map}, {transform_indices = #map}]} {
    %mul3A = arith.constant 2 : i32
    %mul3A_0 = arith.muli %arg1, %mul3A : i32
    %add3A = arith.addi %mul3A_0, %arg0 : i32
    %mul3A_1 = arith.constant 64 : i32
    %mul3A_2 = arith.muli %add3A, %mul3A_1 : i32
    "tpu.region"() ({
      %run_scoped3A = tpu.sem_alloc : memref<!tpu.dma_semaphore, #tpu.memory_space<semaphore_mem>>
      %dma_start3A_5 = tpu.memref_slice %arg3[%mul3A_2] : memref<2048xi32, #tpu.memory_space<hbm>> -> memref<64xi32, #tpu.memory_space<hbm>>
      %dma_start3A_6 = tpu.memref_slice %arg3[%mul3A_2] : memref<2048xi32, #tpu.memory_space<hbm>> -> memref<64xi32, #tpu.memory_space<hbm>>
      tpu.enqueue_dma source(%dma_start3A_6 : memref<64xi32, #tpu.memory_space<hbm>>) target(%arg5 : memref<64xi32, #tpu.memory_space<vmem>>) target_semaphore(%run_scoped3A : memref<!tpu.dma_semaphore, #tpu.memory_space<semaphore_mem>>)
      %dma_wait3A_7 = tpu.memref_slice %arg3[%mul3A_2] : memref<2048xi32, #tpu.memory_space<hbm>> -> memref<64xi32, #tpu.memory_space<hbm>>
      %dma_wait3A_8 = tpu.memref_slice %arg3[%mul3A_2] : memref<2048xi32, #tpu.memory_space<hbm>> -> memref<64xi32, #tpu.memory_space<hbm>>
      tpu.wait_dma2 semaphore(%run_scoped3A : memref<!tpu.dma_semaphore, #tpu.memory_space<semaphore_mem>>) src(%dma_wait3A_8 : memref<64xi32, #tpu.memory_space<hbm>>) dst(%arg5 : memref<64xi32, #tpu.memory_space<vmem>>)
      tpu.yield
    }) : () -> ()
    %dma_start3A = arith.constant 0 : i32
    %dma_start3A_3 = tpu.memref_slice %arg2[%dma_start3A] : memref<65536xi32, #tpu.memory_space<hbm>> -> memref<65536xi32, #tpu.memory_space<hbm>>
    tpu.enqueue_indirect_dma source(%dma_start3A_3 : memref<65536xi32, #tpu.memory_space<hbm>>) target(%arg6 : memref<64xi32, #tpu.memory_space<vmem>>) offsets(%arg5 : memref<64xi32, #tpu.memory_space<vmem>>) semaphore(%arg7 : memref<!tpu.dma_semaphore, #tpu.memory_space<semaphore_mem>>)
    %dma_wait3A = arith.constant 0 : i32
    %dma_wait3A_4 = tpu.memref_slice %arg2[%dma_wait3A] : memref<65536xi32, #tpu.memory_space<hbm>> -> memref<65536xi32, #tpu.memory_space<hbm>>
    tpu.wait_indirect_dma semaphore(%arg7 : memref<!tpu.dma_semaphore, #tpu.memory_space<semaphore_mem>>) src(%dma_wait3A_4 : memref<65536xi32, #tpu.memory_space<hbm>>) dst(%arg6 : memref<64xi32, #tpu.memory_space<vmem>>)
    "tpu.region"() ({
      %run_scoped3A = tpu.sem_alloc : memref<!tpu.dma_semaphore, #tpu.memory_space<semaphore_mem>>
      %dma_start3A_5 = tpu.memref_slice %arg4[%mul3A_2] : memref<2048xi32, #tpu.memory_space<hbm>> -> memref<64xi32, #tpu.memory_space<hbm>>
      %dma_start3A_6 = tpu.memref_slice %arg4[%mul3A_2] : memref<2048xi32, #tpu.memory_space<hbm>> -> memref<64xi32, #tpu.memory_space<hbm>>
      tpu.enqueue_dma source(%arg6 : memref<64xi32, #tpu.memory_space<vmem>>) target(%dma_start3A_6 : memref<64xi32, #tpu.memory_space<hbm>>) target_semaphore(%run_scoped3A : memref<!tpu.dma_semaphore, #tpu.memory_space<semaphore_mem>>)
      %dma_wait3A_7 = tpu.memref_slice %arg4[%mul3A_2] : memref<2048xi32, #tpu.memory_space<hbm>> -> memref<64xi32, #tpu.memory_space<hbm>>
      %dma_wait3A_8 = tpu.memref_slice %arg4[%mul3A_2] : memref<2048xi32, #tpu.memory_space<hbm>> -> memref<64xi32, #tpu.memory_space<hbm>>
      tpu.wait_dma2 semaphore(%run_scoped3A : memref<!tpu.dma_semaphore, #tpu.memory_space<semaphore_mem>>) src(%arg6 : memref<64xi32, #tpu.memory_space<vmem>>) dst(%dma_wait3A_8 : memref<64xi32, #tpu.memory_space<hbm>>)
      tpu.yield
    }) : () -> ()
    return
  }
}

module attributes {stable_mosaic.version = 14 : i64} {
  func.func @_select_body(%arg0: memref<2048x1xf32, #tpu.memory_space<vmem>>, %arg1: memref<1x2048xf32, #tpu.memory_space<vmem>>, %arg2: memref<2048x128xf32, #tpu.memory_space<vmem>>, %arg3: memref<1x2048xi32, #tpu.memory_space<vmem>>, %arg4: memref<1024x1xi32, #tpu.memory_space<vmem>>, %arg5: memref<2048x1xi32, #tpu.memory_space<vmem>>, %arg6: memref<1024x128xf32, #tpu.memory_space<vmem>>) attributes {dimension_semantics = [], scalar_prefetch = 0 : i64, scratch_operands = 0 : i64, tpu.core_type = #tpu.core_type<tc>} {
    %get3A = arith.constant 0 : index
    %get3A_0 = arith.constant 0 : index
    %get3A_1 = vector.load %arg0[%get3A, %get3A_0] : memref<2048x1xf32, #tpu.memory_space<vmem>>, vector<2048x1xf32>
    %get3A_2 = arith.constant 0 : index
    %get3A_3 = arith.constant 0 : index
    %get3A_4 = vector.load %arg1[%get3A_2, %get3A_3] : memref<1x2048xf32, #tpu.memory_space<vmem>>, vector<1x2048xf32>
    %slice3A = vector.extract_strided_slice %get3A_4 {offsets = [0, 0], sizes = [1, 512], strides = [1, 1]} : vector<1x2048xf32> to vector<1x512xf32>
    %iota3A = tpu.iota {dimensions = array<i32: 1>} : vector<2048x512xi32>
    %add3A = arith.constant 0 : i32
    %add3A_5 = vector.broadcast %add3A : i32 to vector<2048x512xi32>
    %add3A_6 = arith.addi %add3A_5, %iota3A : vector<2048x512xi32>
    %iota3A_7 = tpu.iota {dimensions = array<i32: 0>} : vector<2048x512xi32>
    %gt3A = vector.broadcast %get3A_1 : vector<2048x1xf32> to vector<2048x512xf32>
    %gt3A_8 = vector.broadcast %slice3A : vector<1x512xf32> to vector<2048x512xf32>
    %gt3A_9 = arith.cmpf ogt, %gt3A, %gt3A_8 : vector<2048x512xf32>
    %eq3A = vector.broadcast %get3A_1 : vector<2048x1xf32> to vector<2048x512xf32>
    %eq3A_10 = vector.broadcast %slice3A : vector<1x512xf32> to vector<2048x512xf32>
    %eq3A_11 = arith.cmpf oeq, %eq3A, %eq3A_10 : vector<2048x512xf32>
    %lt3A = arith.cmpi slt, %iota3A_7, %add3A_6 : vector<2048x512xi32>
    %and3A = arith.andi %eq3A_11, %lt3A : vector<2048x512xi1>
    %or3A = arith.ori %gt3A_9, %and3A : vector<2048x512xi1>
    %convert_element_type3A = arith.extui %or3A : vector<2048x512xi1> to vector<2048x512xi32>
    %reduce_sum3A = arith.constant dense<0> : vector<512xi32>
    %reduce_sum3A_12 = vector.multi_reduction <add>, %convert_element_type3A, %reduce_sum3A [0] : vector<2048x512xi32> to vector<512xi32>
    %broadcast_in_dim3A = vector.shape_cast %reduce_sum3A_12 : vector<512xi32> to vector<1x512xi32>
    %swap3A = arith.constant 0 : index
    %swap3A_13 = arith.constant 0 : index
    %swap3A_14 = vector.load %arg3[%swap3A, %swap3A_13] : memref<1x2048xi32, #tpu.memory_space<vmem>>, vector<1x512xi32>
    tpu.vector_store %arg3[%swap3A, %swap3A_13], %broadcast_in_dim3A {strides = array<i32>} : memref<1x2048xi32, #tpu.memory_space<vmem>>, vector<1x512xi32>,
    %slice3A_15 = vector.extract_strided_slice %get3A_4 {offsets = [0, 512], sizes = [1, 512], strides = [1, 1]} : vector<1x2048xf32> to vector<1x512xf32>
    %iota3A_16 = tpu.iota {dimensions = array<i32: 1>} : vector<2048x512xi32>
    %add3A_17 = arith.constant 512 : i32
    %add3A_18 = vector.broadcast %add3A_17 : i32 to vector<2048x512xi32>
    %add3A_19 = arith.addi %add3A_18, %iota3A_16 : vector<2048x512xi32>
    %iota3A_20 = tpu.iota {dimensions = array<i32: 0>} : vector<2048x512xi32>
    %gt3A_21 = vector.broadcast %get3A_1 : vector<2048x1xf32> to vector<2048x512xf32>
    %gt3A_22 = vector.broadcast %slice3A_15 : vector<1x512xf32> to vector<2048x512xf32>
    %gt3A_23 = arith.cmpf ogt, %gt3A_21, %gt3A_22 : vector<2048x512xf32>
    %eq3A_24 = vector.broadcast %get3A_1 : vector<2048x1xf32> to vector<2048x512xf32>
    %eq3A_25 = vector.broadcast %slice3A_15 : vector<1x512xf32> to vector<2048x512xf32>
    %eq3A_26 = arith.cmpf oeq, %eq3A_24, %eq3A_25 : vector<2048x512xf32>
    %lt3A_27 = arith.cmpi slt, %iota3A_20, %add3A_19 : vector<2048x512xi32>
    %and3A_28 = arith.andi %eq3A_26, %lt3A_27 : vector<2048x512xi1>
    %or3A_29 = arith.ori %gt3A_23, %and3A_28 : vector<2048x512xi1>
    %convert_element_type3A_30 = arith.extui %or3A_29 : vector<2048x512xi1> to vector<2048x512xi32>
    %reduce_sum3A_31 = arith.constant dense<0> : vector<512xi32>
    %reduce_sum3A_32 = vector.multi_reduction <add>, %convert_element_type3A_30, %reduce_sum3A_31 [0] : vector<2048x512xi32> to vector<512xi32>
    %broadcast_in_dim3A_33 = vector.shape_cast %reduce_sum3A_32 : vector<512xi32> to vector<1x512xi32>
    %swap3A_34 = arith.constant 0 : index
    %swap3A_35 = arith.constant 512 : index
    %swap3A_36 = vector.load %arg3[%swap3A_34, %swap3A_35] : memref<1x2048xi32, #tpu.memory_space<vmem>>, vector<1x512xi32>
    tpu.vector_store %arg3[%swap3A_34, %swap3A_35], %broadcast_in_dim3A_33 {strides = array<i32>} : memref<1x2048xi32, #tpu.memory_space<vmem>>, vector<1x512xi32>,
    %slice3A_37 = vector.extract_strided_slice %get3A_4 {offsets = [0, 1024], sizes = [1, 512], strides = [1, 1]} : vector<1x2048xf32> to vector<1x512xf32>
    %iota3A_38 = tpu.iota {dimensions = array<i32: 1>} : vector<2048x512xi32>
    %add3A_39 = arith.constant 1024 : i32
    %add3A_40 = vector.broadcast %add3A_39 : i32 to vector<2048x512xi32>
    %add3A_41 = arith.addi %add3A_40, %iota3A_38 : vector<2048x512xi32>
    %iota3A_42 = tpu.iota {dimensions = array<i32: 0>} : vector<2048x512xi32>
    %gt3A_43 = vector.broadcast %get3A_1 : vector<2048x1xf32> to vector<2048x512xf32>
    %gt3A_44 = vector.broadcast %slice3A_37 : vector<1x512xf32> to vector<2048x512xf32>
    %gt3A_45 = arith.cmpf ogt, %gt3A_43, %gt3A_44 : vector<2048x512xf32>
    %eq3A_46 = vector.broadcast %get3A_1 : vector<2048x1xf32> to vector<2048x512xf32>
    %eq3A_47 = vector.broadcast %slice3A_37 : vector<1x512xf32> to vector<2048x512xf32>
    %eq3A_48 = arith.cmpf oeq, %eq3A_46, %eq3A_47 : vector<2048x512xf32>
    %lt3A_49 = arith.cmpi slt, %iota3A_42, %add3A_41 : vector<2048x512xi32>
    %and3A_50 = arith.andi %eq3A_48, %lt3A_49 : vector<2048x512xi1>
    %or3A_51 = arith.ori %gt3A_45, %and3A_50 : vector<2048x512xi1>
    %convert_element_type3A_52 = arith.extui %or3A_51 : vector<2048x512xi1> to vector<2048x512xi32>
    %reduce_sum3A_53 = arith.constant dense<0> : vector<512xi32>
    %reduce_sum3A_54 = vector.multi_reduction <add>, %convert_element_type3A_52, %reduce_sum3A_53 [0] : vector<2048x512xi32> to vector<512xi32>
    %broadcast_in_dim3A_55 = vector.shape_cast %reduce_sum3A_54 : vector<512xi32> to vector<1x512xi32>
    %swap3A_56 = arith.constant 0 : index
    %swap3A_57 = arith.constant 1024 : index
    %swap3A_58 = vector.load %arg3[%swap3A_56, %swap3A_57] : memref<1x2048xi32, #tpu.memory_space<vmem>>, vector<1x512xi32>
    tpu.vector_store %arg3[%swap3A_56, %swap3A_57], %broadcast_in_dim3A_55 {strides = array<i32>} : memref<1x2048xi32, #tpu.memory_space<vmem>>, vector<1x512xi32>,
    %slice3A_59 = vector.extract_strided_slice %get3A_4 {offsets = [0, 1536], sizes = [1, 512], strides = [1, 1]} : vector<1x2048xf32> to vector<1x512xf32>
    %iota3A_60 = tpu.iota {dimensions = array<i32: 1>} : vector<2048x512xi32>
    %add3A_61 = arith.constant 1536 : i32
    %add3A_62 = vector.broadcast %add3A_61 : i32 to vector<2048x512xi32>
    %add3A_63 = arith.addi %add3A_62, %iota3A_60 : vector<2048x512xi32>
    %iota3A_64 = tpu.iota {dimensions = array<i32: 0>} : vector<2048x512xi32>
    %gt3A_65 = vector.broadcast %get3A_1 : vector<2048x1xf32> to vector<2048x512xf32>
    %gt3A_66 = vector.broadcast %slice3A_59 : vector<1x512xf32> to vector<2048x512xf32>
    %gt3A_67 = arith.cmpf ogt, %gt3A_65, %gt3A_66 : vector<2048x512xf32>
    %eq3A_68 = vector.broadcast %get3A_1 : vector<2048x1xf32> to vector<2048x512xf32>
    %eq3A_69 = vector.broadcast %slice3A_59 : vector<1x512xf32> to vector<2048x512xf32>
    %eq3A_70 = arith.cmpf oeq, %eq3A_68, %eq3A_69 : vector<2048x512xf32>
    %lt3A_71 = arith.cmpi slt, %iota3A_64, %add3A_63 : vector<2048x512xi32>
    %and3A_72 = arith.andi %eq3A_70, %lt3A_71 : vector<2048x512xi1>
    %or3A_73 = arith.ori %gt3A_67, %and3A_72 : vector<2048x512xi1>
    %convert_element_type3A_74 = arith.extui %or3A_73 : vector<2048x512xi1> to vector<2048x512xi32>
    %reduce_sum3A_75 = arith.constant dense<0> : vector<512xi32>
    %reduce_sum3A_76 = vector.multi_reduction <add>, %convert_element_type3A_74, %reduce_sum3A_75 [0] : vector<2048x512xi32> to vector<512xi32>
    %broadcast_in_dim3A_77 = vector.shape_cast %reduce_sum3A_76 : vector<512xi32> to vector<1x512xi32>
    %swap3A_78 = arith.constant 0 : index
    %swap3A_79 = arith.constant 1536 : index
    %swap3A_80 = vector.load %arg3[%swap3A_78, %swap3A_79] : memref<1x2048xi32, #tpu.memory_space<vmem>>, vector<1x512xi32>
    tpu.vector_store %arg3[%swap3A_78, %swap3A_79], %broadcast_in_dim3A_77 {strides = array<i32>} : memref<1x2048xi32, #tpu.memory_space<vmem>>, vector<1x512xi32>,
    %get3A_81 = arith.constant 0 : index
    %get3A_82 = arith.constant 0 : index
    %get3A_83 = vector.load %arg3[%get3A_81, %get3A_82] : memref<1x2048xi32, #tpu.memory_space<vmem>>, vector<1x2048xi32>
    %iota3A_84 = tpu.iota {dimensions = array<i32: 0>} : vector<512x2048xi32>
    %add3A_85 = arith.constant 0 : i32
    %add3A_86 = vector.broadcast %add3A_85 : i32 to vector<512x2048xi32>
    %add3A_87 = arith.addi %add3A_86, %iota3A_84 : vector<512x2048xi32>
    %iota3A_88 = tpu.iota {dimensions = array<i32: 1>} : vector<512x2048xi32>
    %eq3A_89 = vector.broadcast %get3A_83 : vector<1x2048xi32> to vector<512x2048xi32>
    %eq3A_90 = arith.cmpi eq, %eq3A_89, %add3A_87 : vector<512x2048xi32>
    %jit3A = arith.constant 0 : i32
    %broadcast_in_dim3A_91 = vector.broadcast %jit3A : i32 to vector<512x2048xi32>
    %select_n3A = arith.select %eq3A_90, %iota3A_88, %broadcast_in_dim3A_91 : vector<512x2048xi1>, vector<512x2048xi32>
    %reduce_sum3A_92 = arith.constant dense<0> : vector<512xi32>
    %reduce_sum3A_93 = vector.multi_reduction <add>, %select_n3A, %reduce_sum3A_92 [1] : vector<512x2048xi32> to vector<512xi32>
    %broadcast_in_dim3A_94 = vector.shape_cast %reduce_sum3A_93 : vector<512xi32> to vector<512x1xi32>
    %swap3A_95 = arith.constant 0 : index
    %swap3A_96 = arith.constant 0 : index
    %swap3A_97 = vector.load %arg4[%swap3A_95, %swap3A_96] : memref<1024x1xi32, #tpu.memory_space<vmem>>, vector<512x1xi32>
    tpu.vector_store %arg4[%swap3A_95, %swap3A_96], %broadcast_in_dim3A_94 {strides = array<i32>} : memref<1024x1xi32, #tpu.memory_space<vmem>>, vector<512x1xi32>,
    %iota3A_98 = tpu.iota {dimensions = array<i32: 0>} : vector<512x2048xi32>
    %add3A_99 = arith.constant 512 : i32
    %add3A_100 = vector.broadcast %add3A_99 : i32 to vector<512x2048xi32>
    %add3A_101 = arith.addi %add3A_100, %iota3A_98 : vector<512x2048xi32>
    %iota3A_102 = tpu.iota {dimensions = array<i32: 1>} : vector<512x2048xi32>
    %eq3A_103 = vector.broadcast %get3A_83 : vector<1x2048xi32> to vector<512x2048xi32>
    %eq3A_104 = arith.cmpi eq, %eq3A_103, %add3A_101 : vector<512x2048xi32>
    %jit3A_105 = arith.constant 0 : i32
    %broadcast_in_dim3A_106 = vector.broadcast %jit3A_105 : i32 to vector<512x2048xi32>
    %select_n3A_107 = arith.select %eq3A_104, %iota3A_102, %broadcast_in_dim3A_106 : vector<512x2048xi1>, vector<512x2048xi32>
    %reduce_sum3A_108 = arith.constant dense<0> : vector<512xi32>
    %reduce_sum3A_109 = vector.multi_reduction <add>, %select_n3A_107, %reduce_sum3A_108 [1] : vector<512x2048xi32> to vector<512xi32>
    %broadcast_in_dim3A_110 = vector.shape_cast %reduce_sum3A_109 : vector<512xi32> to vector<512x1xi32>
    %swap3A_111 = arith.constant 512 : index
    %swap3A_112 = arith.constant 0 : index
    %swap3A_113 = vector.load %arg4[%swap3A_111, %swap3A_112] : memref<1024x1xi32, #tpu.memory_space<vmem>>, vector<512x1xi32>
    tpu.vector_store %arg4[%swap3A_111, %swap3A_112], %broadcast_in_dim3A_110 {strides = array<i32>} : memref<1024x1xi32, #tpu.memory_space<vmem>>, vector<512x1xi32>,
    %get3A_114 = arith.constant 0 : index
    %get3A_115 = arith.constant 0 : index
    %get3A_116 = vector.load %arg4[%get3A_114, %get3A_115] : memref<1024x1xi32, #tpu.memory_space<vmem>>, vector<1024x1xi32>
    %swap3A_117 = arith.constant 0 : index
    %swap3A_118 = arith.constant 0 : index
    %swap3A_119 = vector.load %arg5[%swap3A_117, %swap3A_118] : memref<2048x1xi32, #tpu.memory_space<vmem>>, vector<1024x1xi32>
    tpu.vector_store %arg5[%swap3A_117, %swap3A_118], %get3A_116 {strides = array<i32>} : memref<2048x1xi32, #tpu.memory_space<vmem>>, vector<1024x1xi32>,
    %add3A_120 = arith.constant 32768 : i32
    %add3A_121 = vector.broadcast %add3A_120 : i32 to vector<1024x1xi32>
    %add3A_122 = arith.addi %get3A_116, %add3A_121 : vector<1024x1xi32>
    %swap3A_123 = arith.constant 1024 : index
    %swap3A_124 = arith.constant 0 : index
    %swap3A_125 = vector.load %arg5[%swap3A_123, %swap3A_124] : memref<2048x1xi32, #tpu.memory_space<vmem>>, vector<1024x1xi32>
    tpu.vector_store %arg5[%swap3A_123, %swap3A_124], %add3A_122 {strides = array<i32>} : memref<2048x1xi32, #tpu.memory_space<vmem>>, vector<1024x1xi32>,
    %iota3A_126 = tpu.iota {dimensions = array<i32: 0>} : vector<1024x2048xi32>
    %eq3A_127 = vector.broadcast %get3A_83 : vector<1x2048xi32> to vector<1024x2048xi32>
    %eq3A_128 = arith.cmpi eq, %eq3A_127, %iota3A_126 : vector<1024x2048xi32>
    %convert_element_type3A_129 = arith.extui %eq3A_128 : vector<1024x2048xi1> to vector<1024x2048xi32>
    %convert_element_type3A_130 = arith.sitofp %convert_element_type3A_129 : vector<1024x2048xi32> to vector<1024x2048xf32>
    %dot_general3A = arith.constant dense<0.000000e+00> : vector<1024x1xf32>
    %dot_general3A_131 = tpu.matmul %convert_element_type3A_130, %get3A_1, %dot_general3A {dimension_numbers = #tpu.dot_dimension_numbers<[1], [0], [0], [1], [0, 0, 1, 1], [], []>, precision = #tpu.contract_precision<fp32>, transpose_lhs_hint = false} : vector<1024x2048xf32>, vector<2048x1xf32>, vector<1024x1xf32> -> vector<1024x1xf32>
    %get3A_132 = arith.constant 0 : index
    %get3A_133 = arith.constant 0 : index
    %get3A_134 = vector.load %arg2[%get3A_132, %get3A_133] : memref<2048x128xf32, #tpu.memory_space<vmem>>, vector<2048x128xf32>
    %dot_general3A_135 = arith.constant dense<0.000000e+00> : vector<1024x128xf32>
    %dot_general3A_136 = tpu.matmul %convert_element_type3A_130, %get3A_134, %dot_general3A_135 {dimension_numbers = #tpu.dot_dimension_numbers<[1], [0], [0], [1], [0, 0, 1, 1], [], []>, precision = #tpu.contract_precision<fp32>, transpose_lhs_hint = false} : vector<1024x2048xf32>, vector<2048x128xf32>, vector<1024x128xf32> -> vector<1024x128xf32>
    %mul3A = vector.broadcast %dot_general3A_131 : vector<1024x1xf32> to vector<1024x128xf32>
    %mul3A_137 = arith.mulf %dot_general3A_136, %mul3A : vector<1024x128xf32>
    %swap3A_138 = arith.constant 0 : index
    %swap3A_139 = arith.constant 0 : index
    %swap3A_140 = vector.load %arg6[%swap3A_138, %swap3A_139] : memref<1024x128xf32, #tpu.memory_space<vmem>>, vector<1024x128xf32>
    tpu.vector_store %arg6[%swap3A_138, %swap3A_139], %mul3A_137 {strides = array<i32>} : memref<1024x128xf32, #tpu.memory_space<vmem>>, vector<1024x128xf32>,
    return
  }
}

module attributes {stable_mosaic.version = 14 : i64} {
  func.func @_power_body(%arg0: i32, %arg1: memref<2048x2048xf32, #tpu.memory_space<vmem>>, %arg2: memref<1x2048xi32, #tpu.memory_space<vmem>>, %arg3: memref<2048x1xi32, #tpu.memory_space<vmem>>, %arg4: memref<512x1024xf32, #tpu.memory_space<vmem>>, %arg5: memref<2048x2048xf8E4M3FN, #tpu.memory_space<vmem>>, %arg6: memref<2048x1024xf8E4M3FN, #tpu.memory_space<vmem>>) attributes {dimension_semantics = [#tpu.dimension_semantics<arbitrary>], iteration_bounds = array<i64: 2>, scalar_prefetch = 0 : i64, scratch_operands = 2 : i64, tpu.core_type = #tpu.core_type<tc>, window_params = [{pipeline_mode = #tpu.pipeline_mode<synchronous>, transform_indices = @transform_0, window_bounds = array<i64: 2048, 2048>}, {pipeline_mode = #tpu.pipeline_mode<synchronous>, transform_indices = @transform_1, window_bounds = array<i64: 1, 2048>}, {pipeline_mode = #tpu.pipeline_mode<synchronous>, transform_indices = @transform_2, window_bounds = array<i64: 2048, 1>}, {transform_indices = @transform_3, window_bounds = array<i64: 512, 1024>}]} {
    %eq3A = arith.constant 0 : i32
    %eq3A_0 = arith.cmpi eq, %arg0, %eq3A : i32
    %convert_element_type3A = arith.extui %eq3A_0 : i1 to i32
    %cond3A = arith.constant 0 : i32
    %cond3A_1 = arith.cmpi ne, %convert_element_type3A, %cond3A : i32
    scf.if %cond3A_1 {
      %get3A_48 = arith.constant 0 : index
      %get3A_49 = arith.constant 0 : index
      %get3A_50 = vector.load %arg1[%get3A_48, %get3A_49] : memref<2048x2048xf32, #tpu.memory_space<vmem>>, vector<2048x2048xf32>
      %ne3A_51 = arith.constant 0.000000e+00 : f32
      %ne3A_52 = vector.broadcast %ne3A_51 : f32 to vector<2048x2048xf32>
      %ne3A_53 = arith.cmpf one, %get3A_50, %ne3A_52 : vector<2048x2048xf32>
      %convert_element_type3A_54 = arith.extui %ne3A_53 : vector<2048x2048xi1> to vector<2048x2048xi32>
      %convert_element_type3A_55 = arith.sitofp %convert_element_type3A_54 : vector<2048x2048xi32> to vector<2048x2048xf32>
      %convert_element_type3A_56 = arith.truncf %convert_element_type3A_55 : vector<2048x2048xf32> to vector<2048x2048xf8E4M3FN>
      %swap3A_57 = arith.constant 0 : index
      %swap3A_58 = arith.constant 0 : index
      %swap3A_59 = vector.load %arg5[%swap3A_57, %swap3A_58] : memref<2048x2048xf8E4M3FN, #tpu.memory_space<vmem>>, vector<2048x2048xf8E4M3FN>
      tpu.vector_store %arg5[%swap3A_57, %swap3A_58], %convert_element_type3A_56 {strides = array<i32>} : memref<2048x2048xf8E4M3FN, #tpu.memory_space<vmem>>, vector<2048x2048xf8E4M3FN>,
      %iota3A_60 = tpu.iota {dimensions = array<i32: 1>} : vector<2048x1024xi32>
      %get3A_61 = arith.constant 0 : index
      %get3A_62 = arith.constant 0 : index
      %get3A_63 = vector.load %arg3[%get3A_61, %get3A_62] : memref<2048x1xi32, #tpu.memory_space<vmem>>, vector<2048x1xi32>
      %eq3A_64 = vector.broadcast %get3A_63 : vector<2048x1xi32> to vector<2048x1024xi32>
      %eq3A_65 = arith.cmpi eq, %eq3A_64, %iota3A_60 : vector<2048x1024xi32>
      %convert_element_type3A_66 = arith.extui %eq3A_65 : vector<2048x1024xi1> to vector<2048x1024xi32>
      %convert_element_type3A_67 = arith.sitofp %convert_element_type3A_66 : vector<2048x1024xi32> to vector<2048x1024xf32>
      %convert_element_type3A_68 = arith.truncf %convert_element_type3A_67 : vector<2048x1024xf32> to vector<2048x1024xf8E4M3FN>
      %get3A_69 = arith.constant 0 : index
      %get3A_70 = arith.constant 0 : index
      %get3A_71 = vector.load %arg5[%get3A_69, %get3A_70] : memref<2048x2048xf8E4M3FN, #tpu.memory_space<vmem>>, vector<2048x2048xf8E4M3FN>
      %dot_general3A_72 = arith.constant dense<0.000000e+00> : vector<2048x1024xf32>
      %dot_general3A_73 = tpu.matmul %get3A_71, %convert_element_type3A_68, %dot_general3A_72 {dimension_numbers = #tpu.dot_dimension_numbers<[1], [0], [0], [1], [0, 0, 1, 1], [], []>, transpose_lhs_hint = false} : vector<2048x2048xf8E4M3FN>, vector<2048x1024xf8E4M3FN>, vector<2048x1024xf32> -> vector<2048x1024xf32>
      %ne3A_74 = arith.constant 0.000000e+00 : f32
      %ne3A_75 = vector.broadcast %ne3A_74 : f32 to vector<2048x1024xf32>
      %ne3A_76 = arith.cmpf one, %dot_general3A_73, %ne3A_75 : vector<2048x1024xf32>
      %convert_element_type3A_77 = arith.extui %ne3A_76 : vector<2048x1024xi1> to vector<2048x1024xi32>
      %convert_element_type3A_78 = arith.sitofp %convert_element_type3A_77 : vector<2048x1024xi32> to vector<2048x1024xf32>
      %convert_element_type3A_79 = arith.truncf %convert_element_type3A_78 : vector<2048x1024xf32> to vector<2048x1024xf8E4M3FN>
      %swap3A_80 = arith.constant 0 : index
      %swap3A_81 = arith.constant 0 : index
      %swap3A_82 = vector.load %arg6[%swap3A_80, %swap3A_81] : memref<2048x1024xf8E4M3FN, #tpu.memory_space<vmem>>, vector<2048x1024xf8E4M3FN>
      tpu.vector_store %arg6[%swap3A_80, %swap3A_81], %convert_element_type3A_79 {strides = array<i32>} : memref<2048x1024xf8E4M3FN, #tpu.memory_space<vmem>>, vector<2048x1024xf8E4M3FN>,
    } else {
    }
    %get3A = arith.constant 0 : index
    %get3A_2 = arith.constant 0 : index
    %get3A_3 = vector.load %arg2[%get3A, %get3A_2] : memref<1x2048xi32, #tpu.memory_space<vmem>>, vector<1x2048xi32>
    %mul3A = arith.constant 512 : i32
    %mul3A_4 = arith.muli %mul3A, %arg0 : i32
    %iota3A = tpu.iota {dimensions = array<i32: 0>} : vector<512x2048xi32>
    %add3A = vector.broadcast %mul3A_4 : i32 to vector<512x2048xi32>
    %add3A_5 = arith.addi %add3A, %iota3A : vector<512x2048xi32>
    %eq3A_6 = vector.broadcast %get3A_3 : vector<1x2048xi32> to vector<512x2048xi32>
    %eq3A_7 = arith.cmpi eq, %eq3A_6, %add3A_5 : vector<512x2048xi32>
    %convert_element_type3A_8 = arith.extui %eq3A_7 : vector<512x2048xi1> to vector<512x2048xi32>
    %convert_element_type3A_9 = arith.sitofp %convert_element_type3A_8 : vector<512x2048xi32> to vector<512x2048xf32>
    %convert_element_type3A_10 = arith.truncf %convert_element_type3A_9 : vector<512x2048xf32> to vector<512x2048xf8E4M3FN>
    %get3A_11 = arith.constant 0 : index
    %get3A_12 = arith.constant 0 : index
    %get3A_13 = vector.load %arg5[%get3A_11, %get3A_12] : memref<2048x2048xf8E4M3FN, #tpu.memory_space<vmem>>, vector<2048x2048xf8E4M3FN>
    %dot_general3A = arith.constant dense<0.000000e+00> : vector<512x2048xf32>
    %dot_general3A_14 = tpu.matmul %convert_element_type3A_10, %get3A_13, %dot_general3A {dimension_numbers = #tpu.dot_dimension_numbers<[1], [0], [0], [1], [0, 0, 1, 1], [], []>, transpose_lhs_hint = false} : vector<512x2048xf8E4M3FN>, vector<2048x2048xf8E4M3FN>, vector<512x2048xf32> -> vector<512x2048xf32>
    %ne3A = arith.constant 0.000000e+00 : f32
    %ne3A_15 = vector.broadcast %ne3A : f32 to vector<512x2048xf32>
    %ne3A_16 = arith.cmpf one, %dot_general3A_14, %ne3A_15 : vector<512x2048xf32>
    %convert_element_type3A_17 = arith.extui %ne3A_16 : vector<512x2048xi1> to vector<512x2048xi32>
    %convert_element_type3A_18 = arith.sitofp %convert_element_type3A_17 : vector<512x2048xi32> to vector<512x2048xf32>
    %convert_element_type3A_19 = arith.truncf %convert_element_type3A_18 : vector<512x2048xf32> to vector<512x2048xf8E4M3FN>
    %get3A_20 = arith.constant 0 : index
    %get3A_21 = arith.constant 0 : index
    %get3A_22 = vector.load %arg5[%get3A_20, %get3A_21] : memref<2048x2048xf8E4M3FN, #tpu.memory_space<vmem>>, vector<2048x2048xf8E4M3FN>
    %dot_general3A_23 = arith.constant dense<0.000000e+00> : vector<512x2048xf32>
    %dot_general3A_24 = tpu.matmul %convert_element_type3A_19, %get3A_22, %dot_general3A_23 {dimension_numbers = #tpu.dot_dimension_numbers<[1], [0], [0], [1], [0, 0, 1, 1], [], []>, transpose_lhs_hint = false} : vector<512x2048xf8E4M3FN>, vector<2048x2048xf8E4M3FN>, vector<512x2048xf32> -> vector<512x2048xf32>
    %ne3A_25 = arith.constant 0.000000e+00 : f32
    %ne3A_26 = vector.broadcast %ne3A_25 : f32 to vector<512x2048xf32>
    %ne3A_27 = arith.cmpf one, %dot_general3A_24, %ne3A_26 : vector<512x2048xf32>
    %convert_element_type3A_28 = arith.extui %ne3A_27 : vector<512x2048xi1> to vector<512x2048xi32>
    %convert_element_type3A_29 = arith.sitofp %convert_element_type3A_28 : vector<512x2048xi32> to vector<512x2048xf32>
    %convert_element_type3A_30 = arith.truncf %convert_element_type3A_29 : vector<512x2048xf32> to vector<512x2048xf8E4M3FN>
    %get3A_31 = arith.constant 0 : index
    %get3A_32 = arith.constant 0 : index
    %get3A_33 = vector.load %arg6[%get3A_31, %get3A_32] : memref<2048x1024xf8E4M3FN, #tpu.memory_space<vmem>>, vector<2048x1024xf8E4M3FN>
    %dot_general3A_34 = arith.constant dense<0.000000e+00> : vector<512x1024xf32>
    %dot_general3A_35 = tpu.matmul %convert_element_type3A_30, %get3A_33, %dot_general3A_34 {dimension_numbers = #tpu.dot_dimension_numbers<[1], [0], [0], [1], [0, 0, 1, 1], [], []>, transpose_lhs_hint = false} : vector<512x2048xf8E4M3FN>, vector<2048x1024xf8E4M3FN>, vector<512x1024xf32> -> vector<512x1024xf32>
    %ne3A_36 = arith.constant 0.000000e+00 : f32
    %ne3A_37 = vector.broadcast %ne3A_36 : f32 to vector<512x1024xf32>
    %ne3A_38 = arith.cmpf one, %dot_general3A_35, %ne3A_37 : vector<512x1024xf32>
    %convert_element_type3A_39 = arith.extui %ne3A_38 : vector<512x1024xi1> to vector<512x1024xi32>
    %convert_element_type3A_40 = arith.sitofp %convert_element_type3A_39 : vector<512x1024xi32> to vector<512x1024xf32>
    %reduce_sum3A = arith.constant dense<0.000000e+00> : vector<512xf32>
    %reduce_sum3A_41 = vector.multi_reduction <add>, %convert_element_type3A_40, %reduce_sum3A [1] : vector<512x1024xf32> to vector<512xf32>
    %broadcast_in_dim3A = vector.shape_cast %reduce_sum3A_41 : vector<512xf32> to vector<512x1xf32>
    %add3A_42 = arith.constant 9.99999993E-9 : f32
    %add3A_43 = vector.broadcast %add3A_42 : f32 to vector<512x1xf32>
    %add3A_44 = arith.addf %broadcast_in_dim3A, %add3A_43 : vector<512x1xf32>
    %div3A = vector.broadcast %add3A_44 : vector<512x1xf32> to vector<512x1024xf32>
    %div3A_45 = arith.divf %convert_element_type3A_40, %div3A : vector<512x1024xf32>
    %swap3A = arith.constant 0 : index
    %swap3A_46 = arith.constant 0 : index
    %swap3A_47 = vector.load %arg4[%swap3A, %swap3A_46] : memref<512x1024xf32, #tpu.memory_space<vmem>>, vector<512x1024xf32>
    tpu.vector_store %arg4[%swap3A, %swap3A_46], %div3A_45 {strides = array<i32>} : memref<512x1024xf32, #tpu.memory_space<vmem>>, vector<512x1024xf32>,
    return
  }
  func.func @transform_0(%arg0: i32) -> (i32, i32) {
    %c0_i32 = arith.constant 0 : i32
    %c0_i32_0 = arith.constant 0 : i32
    %c0_i32_1 = arith.constant 0 : i32
    return %c0_i32, %c0_i32_0 : i32, i32
  }
  func.func @transform_1(%arg0: i32) -> (i32, i32) {
    %c0_i32 = arith.constant 0 : i32
    %c0_i32_0 = arith.constant 0 : i32
    %c0_i32_1 = arith.constant 0 : i32
    return %c0_i32, %c0_i32_0 : i32, i32
  }
  func.func @transform_2(%arg0: i32) -> (i32, i32) {
    %c0_i32 = arith.constant 0 : i32
    %c0_i32_0 = arith.constant 0 : i32
    %c0_i32_1 = arith.constant 0 : i32
    return %c0_i32, %c0_i32_0 : i32, i32
  }
  func.func @transform_3(%arg0: i32) -> (i32, i32) {
    %c0_i32 = arith.constant 0 : i32
    %c0_i32_0 = arith.constant 0 : i32
    return %arg0, %c0_i32 : i32, i32
  }
}

</mosaic_0001>

<sc_bundles>
// kernel: kernel.6.cloned.1.call-start
scs
__scs_entry_jumppad:
0x0: {  	(pc) =	sbr.rel $0x88, $3  }
0x1: {  	(tag) =	ssettag $0x0;
	lr =	simm.s32 $0x1  }
0x2: {  	[smem:$0x3F98] =	sst lr;
	_ =	strace $0xD0000000  }
0x3: {  	_ = 	snop  }
0x4: {  	_ = 	snop  }
0x5: {  	_ = 	snop  }
0x6: {  	_ = 	snop  }
0x7: {  	_ = 	snop  }
__scs_overlays_trampoline_lowered:
0x8: {  	[smem:$0x3FA7] =	sst s0  }
0x9: {  	[smem:$0x3FA8] =	sst s1  }
0xa: {  	[smem:$0x3FA9] =	sst s2  }
0xb: {  	[smem:$0x3FAA] =	sst s3  }
0xc: {  	[smem:$0x3FAB] =	sst s4  }
0xd: {  	[smem:$0x3FAC] =	sst s5  }
0xe: {  	[smem:$0x3FAD] =	sst s6  }
0xf: {  	[smem:$0x3FAE] =	sst s7  }
0x10: {  	[smem:$0x3FAF] =	sst s8  }
0x11: {  	[smem:$0x3FB0] =	sst s9;
	s0 =	simm.s32 @!p0 $0x0  }
0x12: {  	s1 =	sld [smem:$0x3F96];
	s0 =	simm.s32 @p0 $0x1  }
0x13: {  	[smem:$0x3FB1] =	sst s0;
	s0 =	simm.s32 @!p1 $0x0  }
0x14: {  	s2 =	sld [smem:$0x3F95];
	s0 =	simm.s32 @p1 $0x1  }
0x15: {  	[smem:$0x3FB2] =	sst s0;
	s0 =	simm.s32 @!p2 $0x0  }
0x16: {  	s3 =	sld [smem:$0x3FDB];
	s0 =	simm.s32 @p2 $0x1  }
0x17: {  	s4 =	simm.s32 $0x1BF5;
	[smem:$0x3FB4] =	sst s0  }
0x18: {  	s0 =	sld [smem:$0x3F97];
	_ =	swait.ge [sflag:s4], $0x0  }
0x19: {  	s7 =	sld [smem:$0x3F98]  }
0x1a: {  	s8 =	sadd.s32 $0xFFFFE003, lr  }
0x1b: {  	s9 =	sadd.s32 $0xFFFFFEF7, lr;
	s5 =	simm.s32 $0xFFFFFFFF;
	p2 =	slt.u32 s8, $0xFFFFF086  }
0x1c: {  	p1 =	slt.u32 s9, $0xF7A;
	s5 =	simm.s32 @!p2 $0x0  }
0x1d: {  	s5 =	simm.s32 @p1 $0x1;
	p0 =	seq.s32 s7, s2  }
0x1e: {  	s7 =	smul.u32 @!p0 $0xF7A, s2;
	p2 =	seq.s32 @!p0 s5, $0x0  }
0x1f: {  	s9 =	smul.u32 $0xF7A, s1;
	s8 =	simm.s32 @!p0 $0x1BF5;
	p2 =	por !p2, p0  }
0x20: {  	[sflag:s8] =	ssyncset.s32 @!p0 $0xFFFFF086;
	s6 =	sadd.s32 @!p0 s3, s7;
	s7 =	simm.s32 @!p0 $0x108  }
0x21: {  	s3 =	sadd.s32 s3, s9;
	s6 =	sadd.s32 @!p0 $0x88, s6;
	s7 =	simm.s32 @p2 $0x1082  }
0x22: {  	[simem:s7], [sflag:s8] =	dma.local @!p0 [hbm:s6], $0xF7A  }
0x23: {  	s9 =	sor.u32 $0xD0000000, s2;
	s6 =	simm.s32 $0x108;
	_ =	swait.ge @!p0 [sflag:s8], $0x0  }
0x24: {  	s3 =	sadd.s32 $0x88, s3;
	s6 =	simm.s32 @!p1 $0x1082;
	[sflag:s4] =	ssyncset.s32 $0xFFFFF086  }
0x25: {  	[simem:s6], [sflag:s4] =	dma.local [hbm:s3], $0xF7A  }
0x26: {  	[smem:$0x3F98] =	sst s1;
	(tag) =	ssettag s2;
	_ =	strace s9  }
0x27: {  	s1 =	sld [smem:$0x3FA8]  }
0x28: {  	s2 =	sld [smem:$0x3FA9]  }
0x29: {  	s4 =	sld [smem:$0x3FAB]  }
0x2a: {  	p0 =	seq.s32 s5, $0x0;
	s5 =	sld [smem:$0x3FAC]  }
0x2b: {  	s6 =	sld [smem:$0x3FAD]  }
0x2c: {  	s7 =	sld [smem:$0x3FAE]  }
0x2d: {  	s3 =	simm.s32 $0x108;
	s8 =	sld [smem:$0x3FAF]  }
0x2e: {  	s3 =	simm.s32 @!p0 $0x1082;
	s9 =	sld [smem:$0x3FB0]  }
0x2f: {  	lr =	sadd.s32 s0, s3;
	s0 =	sld [smem:$0x3FA7]  }
0x30: {  	s3 =	sld [smem:$0x3FAA]  }
0x31: {  	[smem:$0x3FB3] =	sst s10  }
0x32: {  	s10 =	sld [smem:$0x3FB1];
	_ =	sdelay $0x3  }
0x33: {  	p0 =	seq.s32 s10, $0x1;
	s10 =	sld [smem:$0x3FB3];
	_ =	sdelay $0x3  }
0x34: {  	[smem:$0x3FB3] =	sst s10  }
0x35: {  	s10 =	sld [smem:$0x3FB2];
	_ =	sdelay $0x3  }
0x36: {  	p1 =	seq.s32 s10, $0x1;
	s10 =	sld [smem:$0x3FB3];
	_ =	sdelay $0x3  }
0x37: {  	[smem:$0x3FB3] =	sst s10  }
0x38: {  	s10 =	sld [smem:$0x3FB4]  }
0x39: {  	_ = 	snop;
	(pc) =	sbr.ind lr, $3  }
0x3a: {  	_ = 	snop  }
0x3b: {  	_ = 	snop  }
0x3c: {  	p2 =	seq.s32 s10, $0x1;
	s10 =	sld [smem:$0x3FB3]  }
0x3d: {  	_ =	shalt  }
0x3e: {  	_ =	shalt  }
0x3f: {  	_ =	shalt  }
0x40: {  	_ =	shalt  }
0x41: {  	_ =	shalt  }
0x42: {  	_ =	shalt  }
0x43: {  	_ =	shalt  }
0x44: {  	_ =	shalt  }
0x45: {  	_ =	shalt  }
0x46: {  	_ =	shalt  }
0x47: {  	_ =	shalt  }
0x48: {  	_ =	shalt  }
0x49: {  	_ =	shalt  }
0x4a: {  	_ =	shalt  }
0x4b: {  	_ =	shalt  }
0x4c: {  	_ =	shalt  }
0x4d: {  	_ =	shalt  }
0x4e: {  	_ =	shalt  }
0x4f: {  	_ =	shalt  }
0x50: {  	_ =	shalt  }
0x51: {  	_ =	shalt  }
0x52: {  	_ =	shalt  }
0x53: {  	_ =	shalt  }
0x54: {  	_ =	shalt  }
0x55: {  	_ =	shalt  }
0x56: {  	_ =	shalt  }
0x57: {  	_ =	shalt  }
0x58: {  	_ =	shalt  }
0x59: {  	_ =	shalt  }
0x5a: {  	_ =	shalt  }
0x5b: {  	_ =	shalt  }
0x5c: {  	_ =	shalt  }
0x5d: {  	_ =	shalt  }
0x5e: {  	_ =	shalt  }
0x5f: {  	_ =	shalt  }
0x60: {  	_ =	shalt  }
0x61: {  	_ =	shalt  }
0x62: {  	_ =	shalt  }
0x63: {  	_ =	shalt  }
0x64: {  	_ =	shalt  }
0x65: {  	_ =	shalt  }
0x66: {  	_ =	shalt  }
0x67: {  	_ =	shalt  }
0x68: {  	_ =	shalt  }
0x69: {  	_ =	shalt  }
0x6a: {  	_ =	shalt  }
0x6b: {  	_ =	shalt  }
0x6c: {  	_ =	shalt  }
0x6d: {  	_ =	shalt  }
0x6e: {  	_ =	shalt  }
0x6f: {  	_ =	shalt  }
0x70: {  	_ =	shalt  }
0x71: {  	_ =	shalt  }
0x72: {  	_ =	shalt  }
0x73: {  	_ =	shalt  }
0x74: {  	_ =	shalt  }
0x75: {  	_ =	shalt  }
0x76: {  	_ =	shalt  }
0x77: {  	_ =	shalt  }
0x78: {  	_ =	shalt  }
0x79: {  	_ =	shalt  }
0x7a: {  	_ =	shalt  }
0x7b: {  	_ =	shalt  }
0x7c: {  	_ =	shalt  }
0x7d: {  	_ =	shalt  }
0x7e: {  	_ =	shalt  }
0x7f: {  	_ =	shalt  }
0x80: {  	_ =	shalt  }
0x81: {  	_ =	shalt  }
0x82: {  	_ =	shalt  }
0x83: {  	_ =	shalt  }
0x84: {  	_ =	shalt  }
0x85: {  	_ =	shalt  }
0x86: {  	_ =	shalt  }
0x87: {  	_ =	shalt  }
.Lfunc_end0:
.L_simem_size_0:
called_computation_lowered:
.L_overlay_start_0:
0x88: {  	s2 =	sld [smem:$0x3FD9]  }
0x89: {  	s3 =	sld [smem:$0x3FFE];
	_ =	sdelay $0x1  }
0x8a: {  	s1 =	srdreg.scid  }
0x8b: {  	s0 =	sand.u32 $0x1, s1  }
0x8c: {  	s16 =	sshll.u32 s0, $0xA;
	s2 =	sadd.s32 s3, s2  }
0x8d: {  	s2 =	sadd.s32 s2, s16  }
0x8e: {  	[smem:$0x3FBF] =	sst s2  }
0x8f: {  	_ = 	snop  }
0x90: {  	(tm) =	ssettm $0x1  }
0x91: {  	s17 =	sld [smem:$0x3FFB];
	_ =	sdelay $0x3  }
0x92: {  	_ =	strace s17  }
0x93: {  	s2 =	sld [smem:$0x3FFC];
	_ =	sdelay $0x3  }
0x94: {  	_ =	strace s2  }
0x95: {  	s2 =	sld [smem:$0x3FFD];
	_ =	sdelay $0x3  }
0x96: {  	_ =	strace s2  }
0x97: {  	_ =	strace $0x8FFFFFFF  }
0x98: {  	s18 =	sld [smem:$0x3FDB];
	_ =	sdelay $0x1  }
0x99: {  	s19 =	simm.s32 $_scs_section_size  }
0x9a: {  	s4 =	simm.s32 $_size__tile_overlayer_lowered;
	s5 =	simm.s32 $_tile_overlayer_lowered  }
0x9b: {  	s22 =	simm.s32 $0x1BFF;
	s21 =	sshll.u32 s5, $0x1;
	s2 =	sadd.s32 s19, s18  }
0x9c: {  	s6 =	simm.s32 $0x0;
	s20 =	sshll.u32 s4, $0x1;
	s4 =	sadd.s32 s21, s2  }
0x9d: {  	[timem:s6], [sflag:s22] =	dma.local [hbm:s4], s20  }
0x9e: {  	_ =	swait.ge [sflag:s22], s20  }
0x9f: {  	s3 =	ssub.s32 $0x0, s20;
	[sflag:s22] =	ssyncset.done $0x0  }
0xa0: {  	[sflag:s22] =	ssyncadd.s32 s3;
	_ =	sdelay $0x1  }
0xa1: {  	s23 =	simm.s32 $0x1B8B  }
0xa2: {  	_ =	swait.ge [sflag:s23], $0x1  }
0xa3: {  	[sflag:s23] =	ssyncset.done $0x0  }
0xa4: {  	s25 =	simm.s32 $0x1B8E;
	s24 =	sld [smem:$0x3FFE];
	[sflag:s23] =	ssyncadd.s32 $0xFFFFFFFF  }
0xa5: {  	s26 =	simm.s32 $execute0_lowered;
	[smem:$0x3FD2] =	sst s25  }
0xa6: {  	s4 =	sshll.u32 s26, $0x1;
	_ =	strace $0x80000046;
	[dreg:$0x1] =	wrdreg $0xFFFFFFFF  }
0xa7: {  	s28 =	simm.s32 $_size_execute0_lowered;
	s2 =	sadd.s32 s2, s4;
	[dreg:$0x0] =	wrdreg $0x0  }
0xa8: {  	s4 =	sshll.u32 s28, $0x1;
	[dreg:$0x2] =	wrdreg s2  }
0xa9: {  	[dreg:$0x3] =	wrdreg s4  }
0xaa: {  	[dreg:$0x4] =	wrdreg $0xC0  }
0xab: {  	_ =	task [dreg:s6], $0x5FFFF  }
0xac: {  	[dreg:$0x1] =	wrdreg $0xFFFFFFFF  }
0xad: {  	[dreg:$0x0] =	wrdreg $0x60  }
0xae: {  	[dreg:$0x2] =	wrdreg s24  }
0xaf: {  	[dreg:$0x3] =	wrdreg $0x0  }
0xb0: {  	[dreg:$0x4] =	wrdreg $0x9  }
0xb1: {  	_ =	task.clear_ibuf [dreg:s6], $0x5FFFF;
	_ =	strace $0x90000046  }
0xb2: {  	s29 =	simm.s32 $0x9;
	_ =	strace $0x80000048  }
0xb3: {  	_ =	swait.ge [sflag:s29], $0x1  }
0xb4: {  	[sflag:s29] =	ssyncadd.s32 $0xFFFFFFFF  }
0xb5: {  	_ =	strace $0x90000048  }
0xb6: {  	_ =	sfence  }
0xb7: {  	s30 =	sld [smem:$0x0];
	_ =	sdelay $0x2  }
0xb8: {  	s31 =	sshll.u32 s1, $0xD;
	s1 =	sshrl.u32 s1, $0x2  }
0xb9: {  	s3 =	sand.u32 $0x4000, s31;
	s1 =	sadd.s32 s1, s30  }
0xba: {  	s0 =	sor.u32 s3, s0;
	s1 =	sshll.u32 s1, $0x11  }
0xbb: {  	s0 =	sor.u32 s1, s0  }
0xbc: {  	s0 =	sadd.s32 $0x8F2B, s0  }
0xbd: {  	[sflag:s0] =	ssyncadd.remote.s32 $0x1  }
0xbe: {  	_ =	sfence.sel $0xFFFF  }
0xbf: {  	[dreg:$0x0] =	wrdreg $0xFFFFFFFF;
	(pc) =	sbr.abs _section_cstart, $3  }
0xc0: {  	[dreg:$0x1] =	wrdreg $0xFFFFFFFF  }
0xc1: {  	_ =	task.clear_ibuf [dreg:s6], $0x2FFFF;
	_ =	strace $0x9FFFFFFF  }
0xc2: {  	(tm) =	ssettm $0x7FFFFFFF  }
0xc3: {  	_ =	shalt  }
tec
execute0_lowered:
.L_overlay_start_1:
0x0: {  	(tag) =	ssettag $0x1  }
0x1: {  	s0 =	rddreg [dreg:$0x0]  }
0x2: {  	s2 =	rddreg [dreg:$0x1];
	s3 =	simm.s32 $0x0;
	s11 =	stileid.u32  }
0x3: {  	s1 =	srdreg.scid;
	s16 =	simm.s32 $0x2;
	s17 =	simm.s32 $0x10100  }
0x4: {  	s18 =	simm.s32 $0x1;
	s19 =	simm.s32 $0x80;
	s25 =	simm.s32 $0x15100  }
0x5: {  	s21 =	simm.s32 $0x15900;
	s28 =	simm.s32 $0x15400;
	s29 =	simm.s32 $0x15480  }
0x6: {  	s30 =	simm.s32 $0x15500;
	s31 =	simm.s32 $0x15580;
	s14 =	simm.s32 $0x15680  }
0x7: {  	s15 =	simm.s32 $0x15700;
	[smem:$0x7FF] =	sst s3;
	s22 =	sshll.u32 s11, $0x8  }
0x8: {  	s1 =	sand.u32 $0x1, s1;
	s6 =	sshll.u32 s11, $0x10;
	s11 =	sshll.u32 s11, $0xC  }
0x9: {  	_ =	strace $0x80000047;
	s3 =	sadd.s32 s22, s0;
	s4 =	ssub.s32 $0x2, s1  }
0xa: {  	s0 =	sadd.s32 $0x2A00, s0;
	s24 =	sshll.u32 s1, $0x15;
	s1 =	sshll.u32 s1, $0xB  }
0xb: {  	s5 =	sshrl.u32 s4, $0x1;
	s23 =	sadd.s32 $0xA00, s3;
	s3 =	sadd.s32 $0x1A00, s3  }
0xc: {  	s10 =	sor.u32 $0x100000, s24;
	s12 =	sor.u32 s6, s24;
	s13 =	sor.u32 s1, s11  }
0xd: {  	s1 =	simm.s32 $0x15780;
	s11 =	simm.s32 $0x0;
	[dreg:$0x3] =	wrdreg s23  }
0xe: {  	s4 =	ssub.s32 s4, s5;
	s5 =	sadd.s32 s6, s2;
	[dreg:$0x4] =	wrdreg s3  }
0xf: {  	s6 =	sor.u32 s6, s10;
	s12 =	sshrl.u32 s12, $0x3;
	s3 =	simm.s32 $0x15800  }
0x10: {  	v1 =	vmov s10;
	s10 =	simm.s32 $0x4;
	s7 =	sadd.s32 $0x4000, s5;
	s8 =	sadd.s32 $0x8000, s5  }
0x11: {  	s9 =	sadd.s32 $0xC000, s5;
	s6 =	sshrl.u32 s6, $0x3;
	s12 =	sadd.s32 s0, s12  }
0x12: {  	v2 =	vimm.f32 $0.0e+00;
	v0 =	vmov s24;
	s26 =	smax.u32 s4, $0x1;
	s4 =	simm.s32 $0x15880;
	[dreg:$0x5] =	wrdreg s12  }
0x13: {  	v3 =	vimm.f32 $1.000000000e+00;
	v0 =	vsub.s32 $0x0, v0;
	v1 =	vsub.s32 $0x0, v1;
	s0 =	sadd.s32 s0, s6;
	[dreg:$0x7] =	wrdreg s26;
	s26 =	simm.s32 $0x15180  }
0x14: {  	v4 =	vlaneseq.u32;
	v0 =	vbroadcast v0, $0x0;
	v1 =	vbroadcast v1, $0x0;
	s6 =	simm.s32 $0x3;
	[dreg:$0x6] =	wrdreg s0;
	s0 =	simm.s32 $0x15600  }
.LBB2_1:
0x15: {  	s12 =	simm.s32 $0x0;
	s20 =	rddreg [dreg:$0x3];
	s22 =	simm.s32 $0x14100  }
0x16: {  	[tilespmem:s22], [sflag:$0x2] =	stream.linear.gather [hbm4b:s20+s12], $0x800, $0x38;
	[tilespmem:$0x15980] =	vst v63  }
0x17: {  	s23 =	rddreg [dreg:$0x4];
	s24 =	simm.s32 $0x14900  }
0x18: {  	[tilespmem:s24], [sflag:$0x2] =	stream.linear.gather [hbm4b:s23+s12], $0x800, $0x38;
	[tilespmem:$0x15980] =	vst v63  }
0x19: {  	s20 =	simm.s32 $0x0;
	s12 =	simm.s32 $0x40  }
.LBB2_2:
0x1a: {  	p0 =	sne.s32 s12, $0xFFC0;
	[tilespmem:s20+$0x10100] =	vst v2;
	s20 =	smov.u32 s12;
	s12 =	sadd.s32 $0x40, s12  }
.Ltmp0:
0x1b: {  	(pc) =	sbr.rel @p0 .LBB2_2-.Ltmp0, $2  }
0x1c: {  	_ =	sdelay $0x2  }
0x1d: {  	s20 =	sshra.s32 s20, $0x2  }
0x1e: {  	[tilespmem:s20+$0x10100] =	vst v2  }
0x1f: {  	[tilespmem:$0x15900] =	vst v3  }
0x20: {  	[tilespmem:$0x15910] =	vst v3  }
0x21: {  	[tilespmem:$0x15920] =	vst v3  }
0x22: {  	[tilespmem:$0x15930] =	vst v3  }
0x23: {  	[tilespmem:$0x15940] =	vst v3  }
0x24: {  	[tilespmem:$0x15950] =	vst v3  }
0x25: {  	[tilespmem:$0x15960] =	vst v3  }
0x26: {  	[tilespmem:$0x15970] =	vst v3  }
0x27: {  	_ =	swait.ge [sflag:s16], $0x800  }
0x28: {  	[sflag:s16] =	ssyncset.done $0x0  }
0x29: {  	[sflag:s16] =	ssyncadd.s32 $0xFFFFF800  }
0x2a: {  	_ =	swait.ge [sflag:s16], $0x800  }
0x2b: {  	[sflag:s16] =	ssyncset.done $0x0  }
0x2c: {  	[sflag:s16] =	ssyncadd.s32 $0xFFFFF800  }
0x2d: {  	[spmem:s5] =	stream.linear.scatter [tilespmem:s17], [sflag:$0x1], $0x4000, $0x38;
	[tilespmem:$0x15980] =	vst v63  }
0x2e: {  	_ = 	snop  }
0x2f: {  	[spmem:s7] =	stream.linear.scatter [tilespmem:s17], [sflag:$0x1], $0x4000, $0x38;
	[tilespmem:$0x15980] =	vst v63  }
0x30: {  	_ = 	snop  }
0x31: {  	[spmem:s8] =	stream.linear.scatter [tilespmem:s17], [sflag:$0x1], $0x4000, $0x38;
	[tilespmem:$0x15980] =	vst v63  }
0x32: {  	s12 =	simm.s32 $0x0  }
0x33: {  	[spmem:s9] =	stream.linear.scatter [tilespmem:s17], [sflag:$0x1], $0x4000, $0x38;
	[tilespmem:$0x15980] =	vst v63  }
0x34: {  	v5 =	vld [tilespmem:s12+$0x14100]  }
0x35: {  	v6 =	vld [tilespmem:s12+$0x14900];
	_ =	sdelay $0x3  }
0x36: {  	s23 =	sadd.s32 $0x0, s13  }
0x37: {  	v7 =	vor.u32 s23, v4;
	s12 =	simm.s32 $0x0;
	v5 =	vshll.u32 v5, $0xB;
	v6 =	vadd.s32 v0, v6  }
0x38: {  	s24 =	sand.u32 $0x1E00, s12;
	v5 =	vadd.s32 v5, v6;
	v6 =	vand.u32 $0xFFF, v7  }
0x39: {  	s22 =	sand.u32 $0x70, s12;
	s20 =	sshrl.u32 s24, $0x2;
	vm0 =	vlt.u32 v5, $0x100000;
	v6 =	vor.u32 $0x100000, v6  }
0x3a: {  	s20 =	sor.u32 s22, s20;
	v5 =	vsel vm0, v5, v6  }
0x3b: {  	s23 =	simm.s32 $0x10;
	[tilespmem:s20+$0x15100] =	vst v5  }
0x3c: {  	s22 =	simm.s32 $0x80;
	s20 =	simm.s32 $0x40;
	v5 =	vld [tilespmem:s23+$0x14100]  }
.LBB2_4:
0x3d: {  	p0 =	sne.s32 s22, $0x1FC0;
	v6 =	vld [tilespmem:s23+$0x14900];
	_ =	sdelay $0x2  }
0x3e: {  	s12 =	sadd.s32 $0x10, s12  }
0x3f: {  	s23 =	sadd.s32 s12, s13  }
0x40: {  	v7 =	vor.u32 s23, v4;
	v5 =	vshll.u32 v5, $0xB;
	v6 =	vadd.s32 v0, v6  }
.Ltmp1:
0x41: {  	s23 =	sand.u32 $0x1E00, s20;
	s20 =	smov.u32 s22;
	v5 =	vadd.s32 v5, v6;
	v6 =	vand.u32 $0xFFF, v7;
	(pc) =	sbr.rel @p0 .LBB2_4-.Ltmp1, $4  }
0x42: {  	s24 =	sand.u32 $0x70, s12;
	s23 =	sshrl.u32 s23, $0x2;
	vm0 =	vlt.u32 v5, $0x100000;
	v6 =	vor.u32 $0x100000, v6  }
0x43: {  	s24 =	sor.u32 s24, s23;
	v5 =	vsel vm0, v5, v6  }
0x44: {  	s23 =	sshra.s32 s22, $0x2;
	[tilespmem:s24+$0x15100] =	vst v5  }
0x45: {  	s22 =	sadd.s32 $0x40, s22;
	v5 =	vld [tilespmem:s23+$0x14100]  }
0x46: {  	v6 =	vld [tilespmem:s23+$0x14900];
	_ =	sdelay $0x2  }
0x47: {  	s12 =	sadd.s32 $0x10, s12  }
0x48: {  	s22 =	sadd.s32 s12, s13  }
0x49: {  	v7 =	vor.u32 s22, v4;
	v5 =	vshll.u32 v5, $0xB;
	v6 =	vadd.s32 v0, v6  }
0x4a: {  	s20 =	sand.u32 $0x1E00, s20;
	v5 =	vadd.s32 v5, v6;
	v6 =	vand.u32 $0xFFF, v7  }
0x4b: {  	s12 =	sand.u32 $0x70, s12;
	s20 =	sshrl.u32 s20, $0x2;
	vm0 =	vlt.u32 v5, $0x100000;
	v6 =	vor.u32 $0x100000, v6  }
0x4c: {  	s12 =	sor.u32 s12, s20;
	v5 =	vsel vm0, v5, v6  }
0x4d: {  	[tilespmem:s12+$0x15100] =	vst v5  }
0x4e: {  	_ =	swait.ge [sflag:s18], $0x4000  }
0x4f: {  	[sflag:s18] =	ssyncset.done $0x0  }
0x50: {  	[sflag:s18] =	ssyncadd.s32 $0xFFFFC000  }
0x51: {  	_ =	swait.ge [sflag:s18], $0x4000  }
0x52: {  	[sflag:s18] =	ssyncset.done $0x0  }
0x53: {  	[sflag:s18] =	ssyncadd.s32 $0xFFFFC000  }
0x54: {  	_ =	swait.ge [sflag:s18], $0x4000  }
0x55: {  	[sflag:s18] =	ssyncset.done $0x0  }
0x56: {  	[sflag:s18] =	ssyncadd.s32 $0xFFFFC000  }
0x57: {  	_ =	swait.ge [sflag:s18], $0x4000  }
0x58: {  	[sflag:s18] =	ssyncset.done $0x0  }
0x59: {  	[sflag:s18] =	ssyncadd.s32 $0xFFFFC000  }
0x5a: {  	[bflag:$0x0] =	sbarrier.arrive $0xFFFF  }
0x5b: {  	[spmem:s2] =	stream.indirect.scatter.add.f32 [tilespmem:s21], [sflag:$0x3], $0x1, s25, s19, $0xb8;
	[tilespmem:$0x15980] =	vst v63  }
0x5c: {  	_ = 	snop  }
0x5d: {  	[spmem:s2] =	stream.indirect.scatter.add.f32 [tilespmem:s21], [sflag:$0x3], $0x1, s26, s19, $0xb8;
	[tilespmem:$0x15980] =	vst v63  }
0x5e: {  	s24 =	simm.s32 $0x15200  }
0x5f: {  	[spmem:s2] =	stream.indirect.scatter.add.f32 [tilespmem:s21], [sflag:$0x3], $0x1, s24, s19, $0xb8;
	[tilespmem:$0x15980] =	vst v63  }
0x60: {  	s25 =	simm.s32 $0x15280  }
0x61: {  	[spmem:s2] =	stream.indirect.scatter.add.f32 [tilespmem:s21], [sflag:$0x3], $0x1, s25, s19, $0xb8;
	[tilespmem:$0x15980] =	vst v63  }
0x62: {  	s26 =	simm.s32 $0x15300  }
0x63: {  	[spmem:s2] =	stream.indirect.scatter.add.f32 [tilespmem:s21], [sflag:$0x3], $0x1, s26, s19, $0xb8;
	[tilespmem:$0x15980] =	vst v63  }
0x64: {  	s20 =	simm.s32 $0x15380  }
0x65: {  	[spmem:s2] =	stream.indirect.scatter.add.f32 [tilespmem:s21], [sflag:$0x3], $0x1, s20, s19, $0xb8;
	[tilespmem:$0x15980] =	vst v63  }
0x66: {  	_ = 	snop  }
0x67: {  	[spmem:s2] =	stream.indirect.scatter.add.f32 [tilespmem:s21], [sflag:$0x3], $0x1, s28, s19, $0xb8;
	[tilespmem:$0x15980] =	vst v63  }
0x68: {  	_ = 	snop  }
0x69: {  	[spmem:s2] =	stream.indirect.scatter.add.f32 [tilespmem:s21], [sflag:$0x3], $0x1, s29, s19, $0xb8;
	[tilespmem:$0x15980] =	vst v63  }
0x6a: {  	_ = 	snop  }
0x6b: {  	[spmem:s2] =	stream.indirect.scatter.add.f32 [tilespmem:s21], [sflag:$0x3], $0x1, s30, s19, $0xb8;
	[tilespmem:$0x15980] =	vst v63  }
0x6c: {  	_ = 	snop  }
0x6d: {  	[spmem:s2] =	stream.indirect.scatter.add.f32 [tilespmem:s21], [sflag:$0x3], $0x1, s31, s19, $0xb8;
	[tilespmem:$0x15980] =	vst v63  }
0x6e: {  	_ = 	snop  }
0x6f: {  	[spmem:s2] =	stream.indirect.scatter.add.f32 [tilespmem:s21], [sflag:$0x3], $0x1, s0, s19, $0xb8;
	[tilespmem:$0x15980] =	vst v63  }
0x70: {  	_ = 	snop  }
0x71: {  	[spmem:s2] =	stream.indirect.scatter.add.f32 [tilespmem:s21], [sflag:$0x3], $0x1, s14, s19, $0xb8;
	[tilespmem:$0x15980] =	vst v63  }
0x72: {  	_ = 	snop  }
0x73: {  	[spmem:s2] =	stream.indirect.scatter.add.f32 [tilespmem:s21], [sflag:$0x3], $0x1, s15, s19, $0xb8;
	[tilespmem:$0x15980] =	vst v63  }
0x74: {  	_ = 	snop  }
0x75: {  	[spmem:s2] =	stream.indirect.scatter.add.f32 [tilespmem:s21], [sflag:$0x3], $0x1, s1, s19, $0xb8;
	[tilespmem:$0x15980] =	vst v63  }
0x76: {  	_ = 	snop  }
0x77: {  	[spmem:s2] =	stream.indirect.scatter.add.f32 [tilespmem:s21], [sflag:$0x3], $0x1, s3, s19, $0xb8;
	[tilespmem:$0x15980] =	vst v63  }
0x78: {  	_ = 	snop  }
0x79: {  	[spmem:s2] =	stream.indirect.scatter.add.f32 [tilespmem:s21], [sflag:$0x3], $0x1, s4, s19, $0xb8;
	[tilespmem:$0x15980] =	vst v63  }
0x7a: {  	_ =	swait.ge [sflag:s6], $0x80  }
0x7b: {  	[sflag:s6] =	ssyncset.done $0x0  }
0x7c: {  	[sflag:s6] =	ssyncadd.s32 $0xFFFFFF80  }
0x7d: {  	_ =	swait.ge [sflag:s6], $0x80  }
0x7e: {  	[sflag:s6] =	ssyncset.done $0x0  }
0x7f: {  	[sflag:s6] =	ssyncadd.s32 $0xFFFFFF80  }
0x80: {  	_ =	swait.ge [sflag:s6], $0x80  }
0x81: {  	[sflag:s6] =	ssyncset.done $0x0  }
0x82: {  	[sflag:s6] =	ssyncadd.s32 $0xFFFFFF80  }
0x83: {  	_ =	swait.ge [sflag:s6], $0x80  }
0x84: {  	[sflag:s6] =	ssyncset.done $0x0  }
0x85: {  	[sflag:s6] =	ssyncadd.s32 $0xFFFFFF80  }
0x86: {  	_ =	swait.ge [sflag:s6], $0x80  }
0x87: {  	[sflag:s6] =	ssyncset.done $0x0  }
0x88: {  	[sflag:s6] =	ssyncadd.s32 $0xFFFFFF80  }
0x89: {  	_ =	swait.ge [sflag:s6], $0x80  }
0x8a: {  	[sflag:s6] =	ssyncset.done $0x0  }
0x8b: {  	[sflag:s6] =	ssyncadd.s32 $0xFFFFFF80  }
0x8c: {  	_ =	swait.ge [sflag:s6], $0x80  }
0x8d: {  	[sflag:s6] =	ssyncset.done $0x0  }
0x8e: {  	[sflag:s6] =	ssyncadd.s32 $0xFFFFFF80  }
0x8f: {  	_ =	swait.ge [sflag:s6], $0x80  }
0x90: {  	[sflag:s6] =	ssyncset.done $0x0  }
0x91: {  	[sflag:s6] =	ssyncadd.s32 $0xFFFFFF80  }
0x92: {  	_ =	swait.ge [sflag:s6], $0x80  }
0x93: {  	[sflag:s6] =	ssyncset.done $0x0  }
0x94: {  	[sflag:s6] =	ssyncadd.s32 $0xFFFFFF80  }
0x95: {  	_ =	swait.ge [sflag:s6], $0x80  }
0x96: {  	[sflag:s6] =	ssyncset.done $0x0  }
0x97: {  	[sflag:s6] =	ssyncadd.s32 $0xFFFFFF80  }
0x98: {  	_ =	swait.ge [sflag:s6], $0x80  }
0x99: {  	[sflag:s6] =	ssyncset.done $0x0  }
0x9a: {  	[sflag:s6] =	ssyncadd.s32 $0xFFFFFF80  }
0x9b: {  	_ =	swait.ge [sflag:s6], $0x80  }
0x9c: {  	[sflag:s6] =	ssyncset.done $0x0  }
0x9d: {  	[sflag:s6] =	ssyncadd.s32 $0xFFFFFF80  }
0x9e: {  	_ =	swait.ge [sflag:s6], $0x80  }
0x9f: {  	[sflag:s6] =	ssyncset.done $0x0  }
0xa0: {  	[sflag:s6] =	ssyncadd.s32 $0xFFFFFF80  }
0xa1: {  	_ =	swait.ge [sflag:s6], $0x80  }
0xa2: {  	[sflag:s6] =	ssyncset.done $0x0  }
0xa3: {  	[sflag:s6] =	ssyncadd.s32 $0xFFFFFF80  }
0xa4: {  	_ =	swait.ge [sflag:s6], $0x80  }
0xa5: {  	[sflag:s6] =	ssyncset.done $0x0  }
0xa6: {  	[sflag:s6] =	ssyncadd.s32 $0xFFFFFF80  }
0xa7: {  	_ =	swait.ge [sflag:s6], $0x80  }
0xa8: {  	[sflag:s6] =	ssyncset.done $0x0  }
0xa9: {  	s22 =	stileid.u32;
	[sflag:s6] =	ssyncadd.s32 $0xFFFFFF80  }
0xaa: {  	s12 =	sshll.u32 s22, $0x6;
	[bflag:$0x0] =	sbarrier.arrive $0xFFFF  }
0xab: {  	s12 =	sor.u32 $0x1C04, s12;
	s20 =	sshrl.u32 s5, $0x3;
	s23 =	rddreg [dreg:$0x5]  }
0xac: {  	[hbm:s23], [sflag:s12] =	dma.local [spmem:s20], $0x2000  }
0xad: {  	_ =	swait.ge [sflag:s10], $0x2000  }
0xae: {  	[sflag:s10] =	ssyncset.done $0x0  }
0xaf: {  	[sflag:s10] =	ssyncadd.s32 $0xFFFFE000  }
0xb0: {  	[bflag:$0x0] =	sbarrier.arrive $0xFFFF  }
0xb1: {  	[spmem:s5] =	stream.linear.scatter [tilespmem:s17], [sflag:$0x1], $0x4000, $0x38;
	[tilespmem:$0x15980] =	vst v63  }
0xb2: {  	_ = 	snop  }
0xb3: {  	[spmem:s7] =	stream.linear.scatter [tilespmem:s17], [sflag:$0x1], $0x4000, $0x38;
	[tilespmem:$0x15980] =	vst v63  }
0xb4: {  	_ = 	snop  }
0xb5: {  	[spmem:s8] =	stream.linear.scatter [tilespmem:s17], [sflag:$0x1], $0x4000, $0x38;
	[tilespmem:$0x15980] =	vst v63  }
0xb6: {  	s24 =	simm.s32 $0x0  }
0xb7: {  	[spmem:s9] =	stream.linear.scatter [tilespmem:s17], [sflag:$0x1], $0x4000, $0x38;
	[tilespmem:$0x15980] =	vst v63  }
0xb8: {  	v5 =	vld [tilespmem:s24+$0x14100]  }
0xb9: {  	v6 =	vld [tilespmem:s24+$0x14900];
	_ =	sdelay $0x3  }
0xba: {  	s25 =	sadd.s32 $0x0, s13  }
0xbb: {  	s22 =	simm.s32 $0x0;
	v7 =	vor.u32 s25, v4;
	v5 =	vshll.u32 v5, $0xB;
	v6 =	vadd.s32 v1, v6  }
0xbc: {  	s26 =	sand.u32 $0x1E00, s22;
	v5 =	vadd.s32 v5, v6;
	v6 =	vand.u32 $0xFFF, v7  }
0xbd: {  	s23 =	sshrl.u32 s26, $0x2;
	s24 =	sand.u32 $0x70, s22;
	vm15 =	vlt.u32 v5, $0x100000;
	v6 =	vor.u32 $0x100000, v6  }
0xbe: {  	s23 =	sor.u32 s24, s23;
	v5 =	vsel vm15, v5, v6  }
0xbf: {  	s25 =	simm.s32 $0x10;
	[tilespmem:s23+$0x15100] =	vst v5  }
0xc0: {  	s24 =	simm.s32 $0x80;
	s23 =	simm.s32 $0x40;
	v5 =	vld [tilespmem:s25+$0x14100]  }
.LBB2_6:
0xc1: {  	p0 =	sne.s32 s24, $0x1FC0;
	v6 =	vld [tilespmem:s25+$0x14900];
	_ =	sdelay $0x2  }
0xc2: {  	s22 =	sadd.s32 $0x10, s22  }
0xc3: {  	s25 =	sadd.s32 s22, s13  }
0xc4: {  	v7 =	vor.u32 s25, v4;
	v5 =	vshll.u32 v5, $0xB;
	v6 =	vadd.s32 v1, v6  }
.Ltmp2:
0xc5: {  	s25 =	sand.u32 $0x1E00, s23;
	s23 =	smov.u32 s24;
	v5 =	vadd.s32 v5, v6;
	v6 =	vand.u32 $0xFFF, v7;
	(pc) =	sbr.rel @p0 .LBB2_6-.Ltmp2, $4  }
0xc6: {  	s26 =	sand.u32 $0x70, s22;
	s25 =	sshrl.u32 s25, $0x2;
	vm0 =	vlt.u32 v5, $0x100000;
	v6 =	vor.u32 $0x100000, v6  }
0xc7: {  	s26 =	sor.u32 s26, s25;
	v5 =	vsel vm0, v5, v6  }
0xc8: {  	s25 =	sshra.s32 s24, $0x2;
	[tilespmem:s26+$0x15100] =	vst v5  }
0xc9: {  	s24 =	sadd.s32 $0x40, s24;
	v5 =	vld [tilespmem:s25+$0x14100]  }
0xca: {  	v6 =	vld [tilespmem:s25+$0x14900];
	_ =	sdelay $0x2  }
0xcb: {  	s22 =	sadd.s32 $0x10, s22  }
0xcc: {  	s24 =	sadd.s32 s22, s13  }
0xcd: {  	v7 =	vor.u32 s24, v4;
	v5 =	vshll.u32 v5, $0xB;
	v6 =	vadd.s32 v1, v6  }
0xce: {  	s23 =	sand.u32 $0x1E00, s23;
	v5 =	vadd.s32 v5, v6;
	v6 =	vand.u32 $0xFFF, v7  }
0xcf: {  	s22 =	sand.u32 $0x70, s22;
	s23 =	sshrl.u32 s23, $0x2;
	vm0 =	vlt.u32 v5, $0x100000;
	v6 =	vor.u32 $0x100000, v6  }
0xd0: {  	s22 =	sor.u32 s22, s23;
	v5 =	vsel vm0, v5, v6  }
0xd1: {  	[tilespmem:s22+$0x15100] =	vst v5  }
0xd2: {  	_ =	swait.ge [sflag:s18], $0x4000  }
0xd3: {  	[sflag:s18] =	ssyncset.done $0x0  }
0xd4: {  	[sflag:s18] =	ssyncadd.s32 $0xFFFFC000  }
0xd5: {  	_ =	swait.ge [sflag:s18], $0x4000  }
0xd6: {  	[sflag:s18] =	ssyncset.done $0x0  }
0xd7: {  	[sflag:s18] =	ssyncadd.s32 $0xFFFFC000  }
0xd8: {  	_ =	swait.ge [sflag:s18], $0x4000  }
0xd9: {  	[sflag:s18] =	ssyncset.done $0x0  }
0xda: {  	[sflag:s18] =	ssyncadd.s32 $0xFFFFC000  }
0xdb: {  	_ =	swait.ge [sflag:s18], $0x4000  }
0xdc: {  	[sflag:s18] =	ssyncset.done $0x0  }
0xdd: {  	[sflag:s18] =	ssyncadd.s32 $0xFFFFC000  }
0xde: {  	s25 =	simm.s32 $0x15100;
	[bflag:$0x0] =	sbarrier.arrive $0xFFFF  }
0xdf: {  	[spmem:s2] =	stream.indirect.scatter.add.f32 [tilespmem:s21], [sflag:$0x3], $0x1, s25, s19, $0xb8;
	[tilespmem:$0x15980] =	vst v63  }
0xe0: {  	s26 =	simm.s32 $0x15180  }
0xe1: {  	[spmem:s2] =	stream.indirect.scatter.add.f32 [tilespmem:s21], [sflag:$0x3], $0x1, s26, s19, $0xb8;
	[tilespmem:$0x15980] =	vst v63  }
0xe2: {  	s23 =	simm.s32 $0x15200  }
0xe3: {  	[spmem:s2] =	stream.indirect.scatter.add.f32 [tilespmem:s21], [sflag:$0x3], $0x1, s23, s19, $0xb8;
	[tilespmem:$0x15980] =	vst v63  }
0xe4: {  	s24 =	simm.s32 $0x15280  }
0xe5: {  	[spmem:s2] =	stream.indirect.scatter.add.f32 [tilespmem:s21], [sflag:$0x3], $0x1, s24, s19, $0xb8;
	[tilespmem:$0x15980] =	vst v63  }
0xe6: {  	s23 =	simm.s32 $0x15300  }
0xe7: {  	[spmem:s2] =	stream.indirect.scatter.add.f32 [tilespmem:s21], [sflag:$0x3], $0x1, s23, s19, $0xb8;
	[tilespmem:$0x15980] =	vst v63  }
0xe8: {  	s24 =	simm.s32 $0x15380  }
0xe9: {  	[spmem:s2] =	stream.indirect.scatter.add.f32 [tilespmem:s21], [sflag:$0x3], $0x1, s24, s19, $0xb8;
	[tilespmem:$0x15980] =	vst v63  }
0xea: {  	_ = 	snop  }
0xeb: {  	[spmem:s2] =	stream.indirect.scatter.add.f32 [tilespmem:s21], [sflag:$0x3], $0x1, s28, s19, $0xb8;
	[tilespmem:$0x15980] =	vst v63  }
0xec: {  	_ = 	snop  }
0xed: {  	[spmem:s2] =	stream.indirect.scatter.add.f32 [tilespmem:s21], [sflag:$0x3], $0x1, s29, s19, $0xb8;
	[tilespmem:$0x15980] =	vst v63  }
0xee: {  	_ = 	snop  }
0xef: {  	[spmem:s2] =	stream.indirect.scatter.add.f32 [tilespmem:s21], [sflag:$0x3], $0x1, s30, s19, $0xb8;
	[tilespmem:$0x15980] =	vst v63  }
0xf0: {  	_ = 	snop  }
0xf1: {  	[spmem:s2] =	stream.indirect.scatter.add.f32 [tilespmem:s21], [sflag:$0x3], $0x1, s31, s19, $0xb8;
	[tilespmem:$0x15980] =	vst v63  }
0xf2: {  	_ = 	snop  }
0xf3: {  	[spmem:s2] =	stream.indirect.scatter.add.f32 [tilespmem:s21], [sflag:$0x3], $0x1, s0, s19, $0xb8;
	[tilespmem:$0x15980] =	vst v63  }
0xf4: {  	_ = 	snop  }
0xf5: {  	[spmem:s2] =	stream.indirect.scatter.add.f32 [tilespmem:s21], [sflag:$0x3], $0x1, s14, s19, $0xb8;
	[tilespmem:$0x15980] =	vst v63  }
0xf6: {  	_ = 	snop  }
0xf7: {  	[spmem:s2] =	stream.indirect.scatter.add.f32 [tilespmem:s21], [sflag:$0x3], $0x1, s15, s19, $0xb8;
	[tilespmem:$0x15980] =	vst v63  }
0xf8: {  	_ = 	snop  }
0xf9: {  	[spmem:s2] =	stream.indirect.scatter.add.f32 [tilespmem:s21], [sflag:$0x3], $0x1, s1, s19, $0xb8;
	[tilespmem:$0x15980] =	vst v63  }
0xfa: {  	_ = 	snop  }
0xfb: {  	[spmem:s2] =	stream.indirect.scatter.add.f32 [tilespmem:s21], [sflag:$0x3], $0x1, s3, s19, $0xb8;
	[tilespmem:$0x15980] =	vst v63  }
0xfc: {  	_ = 	snop  }
0xfd: {  	[spmem:s2] =	stream.indirect.scatter.add.f32 [tilespmem:s21], [sflag:$0x3], $0x1, s4, s19, $0xb8;
	[tilespmem:$0x15980] =	vst v63  }
0xfe: {  	_ =	swait.ge [sflag:s6], $0x80  }
0xff: {  	[sflag:s6] =	ssyncset.done $0x0  }
0x100: {  	[sflag:s6] =	ssyncadd.s32 $0xFFFFFF80  }
0x101: {  	_ =	swait.ge [sflag:s6], $0x80  }
0x102: {  	[sflag:s6] =	ssyncset.done $0x0  }
0x103: {  	[sflag:s6] =	ssyncadd.s32 $0xFFFFFF80  }
0x104: {  	_ =	swait.ge [sflag:s6], $0x80  }
0x105: {  	[sflag:s6] =	ssyncset.done $0x0  }
0x106: {  	[sflag:s6] =	ssyncadd.s32 $0xFFFFFF80  }
0x107: {  	_ =	swait.ge [sflag:s6], $0x80  }
0x108: {  	[sflag:s6] =	ssyncset.done $0x0  }
0x109: {  	[sflag:s6] =	ssyncadd.s32 $0xFFFFFF80  }
0x10a: {  	_ =	swait.ge [sflag:s6], $0x80  }
0x10b: {  	[sflag:s6] =	ssyncset.done $0x0  }
0x10c: {  	[sflag:s6] =	ssyncadd.s32 $0xFFFFFF80  }
0x10d: {  	_ =	swait.ge [sflag:s6], $0x80  }
0x10e: {  	[sflag:s6] =	ssyncset.done $0x0  }
0x10f: {  	[sflag:s6] =	ssyncadd.s32 $0xFFFFFF80  }
0x110: {  	_ =	swait.ge [sflag:s6], $0x80  }
0x111: {  	[sflag:s6] =	ssyncset.done $0x0  }
0x112: {  	[sflag:s6] =	ssyncadd.s32 $0xFFFFFF80  }
0x113: {  	_ =	swait.ge [sflag:s6], $0x80  }
0x114: {  	[sflag:s6] =	ssyncset.done $0x0  }
0x115: {  	[sflag:s6] =	ssyncadd.s32 $0xFFFFFF80  }
0x116: {  	_ =	swait.ge [sflag:s6], $0x80  }
0x117: {  	[sflag:s6] =	ssyncset.done $0x0  }
0x118: {  	[sflag:s6] =	ssyncadd.s32 $0xFFFFFF80  }
0x119: {  	_ =	swait.ge [sflag:s6], $0x80  }
0x11a: {  	[sflag:s6] =	ssyncset.done $0x0  }
0x11b: {  	[sflag:s6] =	ssyncadd.s32 $0xFFFFFF80  }
0x11c: {  	_ =	swait.ge [sflag:s6], $0x80  }
0x11d: {  	[sflag:s6] =	ssyncset.done $0x0  }
0x11e: {  	[sflag:s6] =	ssyncadd.s32 $0xFFFFFF80  }
0x11f: {  	_ =	swait.ge [sflag:s6], $0x80  }
0x120: {  	[sflag:s6] =	ssyncset.done $0x0  }
0x121: {  	[sflag:s6] =	ssyncadd.s32 $0xFFFFFF80  }
0x122: {  	_ =	swait.ge [sflag:s6], $0x80  }
0x123: {  	[sflag:s6] =	ssyncset.done $0x0  }
0x124: {  	[sflag:s6] =	ssyncadd.s32 $0xFFFFFF80  }
0x125: {  	_ =	swait.ge [sflag:s6], $0x80  }
0x126: {  	[sflag:s6] =	ssyncset.done $0x0  }
0x127: {  	[sflag:s6] =	ssyncadd.s32 $0xFFFFFF80  }
0x128: {  	_ =	swait.ge [sflag:s6], $0x80  }
0x129: {  	[sflag:s6] =	ssyncset.done $0x0  }
0x12a: {  	[sflag:s6] =	ssyncadd.s32 $0xFFFFFF80  }
0x12b: {  	_ =	swait.ge [sflag:s6], $0x80  }
0x12c: {  	[sflag:s6] =	ssyncset.done $0x0  }
0x12d: {  	[sflag:s6] =	ssyncadd.s32 $0xFFFFFF80  }
0x12e: {  	[bflag:$0x0] =	sbarrier.arrive $0xFFFF  }
0x12f: {  	s23 =	rddreg [dreg:$0x6]  }
0x130: {  	[hbm:s23], [sflag:s12] =	dma.local [spmem:s20], $0x2000  }
0x131: {  	_ =	swait.ge [sflag:s10], $0x2000  }
0x132: {  	s11 =	sadd.s32 $0x1, s11;
	s24 =	rddreg [dreg:$0x7]  }
0x133: {  	p0 =	sne.s32 s11, s24  }
.Ltmp3:
0x134: {  	_ = 	snop;
	(pc) =	sbr.rel @p0 .LBB2_1-.Ltmp3, $3  }
0x135: {  	[sflag:s10] =	ssyncset.done $0x0  }
0x136: {  	[sflag:s10] =	ssyncadd.s32 $0xFFFFE000  }
0x137: {  	[bflag:$0x0] =	sbarrier.arrive $0xFFFF;
	_ =	sdelay $0x1  }
0x138: {  	_ =	sfence.sel $0x180000  }
0x139: {  	[bflag:$0x0] =	sbarrier.arrive $0xFFFF  }
0x13a: {  	_ =	strace $0x90000047  }
0x13b: {  	s0 =	stileid.u32;
	[bflag:$0x2] =	sbarrier.arrive $0xFFFF  }
0x13c: {  	p0 =	sne.s32 s0, $0x0;
	s0 =	rddreg [dreg:$0x2]  }
0x13d: {  	s0 =	sadd.s32 @!p0 $0x100000, s0  }
0x13e: {  	[sflag:s0] =	ssyncadd.tile.s32 @!p0 $0x1;
	_ =	shalt  }
.Lfunc_end2:
_tile_overlayer_lowered:
.L_overlay_start_2:
0x13f: {  	(tag) =	ssettag $0x2  }
0x140: {  	s0 =	rddreg [dreg:$0x0];
	s2 =	stileid.u32  }
0x141: {  	s1 =	rddreg [dreg:$0x1];
	p0 =	sne.s32 s2, $0x0  }
0x142: {  	s3 =	rddreg [dreg:$0x2];
	[bflag:$0x3] =	sbarrier.arrive $0xFFFF;
	s2 =	simm.s32 @!p0 $0x1C05  }
0x143: {  	[timem:s3], [sflag:s2] =	dma.local @!p0 [hbm:s0], s1  }
0x144: {  	s0 =	simm.s32 @!p0 $0x5  }
0x145: {  	_ =	swait.ge @!p0 [sflag:s0], s1  }
0x146: {  	s1 =	ssub.s32 @!p0 $0x0, s1;
	[sflag:s0] =	ssyncset.done @!p0 $0x0  }
0x147: {  	[sflag:s0] =	ssyncadd.s32 @!p0 s1  }
0x148: {  	[bflag:$0x3] =	sbarrier.arrive $0xFFFF  }
0x149: {  	_ =	shalt  }

// kernel: kernel.9.cloned.1.call-start
scs
__scs_entry_jumppad:
0x0: {  	(pc) =	sbr.rel $0x88, $3  }
0x1: {  	(tag) =	ssettag $0x0;
	lr =	simm.s32 $0x1  }
0x2: {  	[smem:$0x3F98] =	sst lr;
	_ =	strace $0xD0000000  }
0x3: {  	_ = 	snop  }
0x4: {  	_ = 	snop  }
0x5: {  	_ = 	snop  }
0x6: {  	_ = 	snop  }
0x7: {  	_ = 	snop  }
__scs_overlays_trampoline_lowered:
0x8: {  	[smem:$0x3FA7] =	sst s0  }
0x9: {  	[smem:$0x3FA8] =	sst s1  }
0xa: {  	[smem:$0x3FA9] =	sst s2  }
0xb: {  	[smem:$0x3FAA] =	sst s3  }
0xc: {  	[smem:$0x3FAB] =	sst s4  }
0xd: {  	[smem:$0x3FAC] =	sst s5  }
0xe: {  	[smem:$0x3FAD] =	sst s6  }
0xf: {  	[smem:$0x3FAE] =	sst s7  }
0x10: {  	[smem:$0x3FAF] =	sst s8  }
0x11: {  	[smem:$0x3FB0] =	sst s9;
	s0 =	simm.s32 @!p0 $0x0  }
0x12: {  	s1 =	sld [smem:$0x3F96];
	s0 =	simm.s32 @p0 $0x1  }
0x13: {  	[smem:$0x3FB1] =	sst s0;
	s0 =	simm.s32 @!p1 $0x0  }
0x14: {  	s2 =	sld [smem:$0x3F95];
	s0 =	simm.s32 @p1 $0x1  }
0x15: {  	[smem:$0x3FB2] =	sst s0;
	s0 =	simm.s32 @!p2 $0x0  }
0x16: {  	s3 =	sld [smem:$0x3FDB];
	s0 =	simm.s32 @p2 $0x1  }
0x17: {  	s4 =	simm.s32 $0x1BF5;
	[smem:$0x3FB4] =	sst s0  }
0x18: {  	s0 =	sld [smem:$0x3F97];
	_ =	swait.ge [sflag:s4], $0x0  }
0x19: {  	s7 =	sld [smem:$0x3F98]  }
0x1a: {  	s8 =	sadd.s32 $0xFFFFE003, lr  }
0x1b: {  	s9 =	sadd.s32 $0xFFFFFEF7, lr;
	s5 =	simm.s32 $0xFFFFFFFF;
	p2 =	slt.u32 s8, $0xFFFFF086  }
0x1c: {  	p1 =	slt.u32 s9, $0xF7A;
	s5 =	simm.s32 @!p2 $0x0  }
0x1d: {  	s5 =	simm.s32 @p1 $0x1;
	p0 =	seq.s32 s7, s2  }
0x1e: {  	s7 =	smul.u32 @!p0 $0xF7A, s2;
	p2 =	seq.s32 @!p0 s5, $0x0  }
0x1f: {  	s9 =	smul.u32 $0xF7A, s1;
	s8 =	simm.s32 @!p0 $0x1BF5;
	p2 =	por !p2, p0  }
0x20: {  	[sflag:s8] =	ssyncset.s32 @!p0 $0xFFFFF086;
	s6 =	sadd.s32 @!p0 s3, s7;
	s7 =	simm.s32 @!p0 $0x108  }
0x21: {  	s3 =	sadd.s32 s3, s9;
	s6 =	sadd.s32 @!p0 $0x88, s6;
	s7 =	simm.s32 @p2 $0x1082  }
0x22: {  	[simem:s7], [sflag:s8] =	dma.local @!p0 [hbm:s6], $0xF7A  }
0x23: {  	s9 =	sor.u32 $0xD0000000, s2;
	s6 =	simm.s32 $0x108;
	_ =	swait.ge @!p0 [sflag:s8], $0x0  }
0x24: {  	s3 =	sadd.s32 $0x88, s3;
	s6 =	simm.s32 @!p1 $0x1082;
	[sflag:s4] =	ssyncset.s32 $0xFFFFF086  }
0x25: {  	[simem:s6], [sflag:s4] =	dma.local [hbm:s3], $0xF7A  }
0x26: {  	[smem:$0x3F98] =	sst s1;
	(tag) =	ssettag s2;
	_ =	strace s9  }
0x27: {  	s1 =	sld [smem:$0x3FA8]  }
0x28: {  	s2 =	sld [smem:$0x3FA9]  }
0x29: {  	s4 =	sld [smem:$0x3FAB]  }
0x2a: {  	p0 =	seq.s32 s5, $0x0;
	s5 =	sld [smem:$0x3FAC]  }
0x2b: {  	s6 =	sld [smem:$0x3FAD]  }
0x2c: {  	s7 =	sld [smem:$0x3FAE]  }
0x2d: {  	s3 =	simm.s32 $0x108;
	s8 =	sld [smem:$0x3FAF]  }
0x2e: {  	s3 =	simm.s32 @!p0 $0x1082;
	s9 =	sld [smem:$0x3FB0]  }
0x2f: {  	lr =	sadd.s32 s0, s3;
	s0 =	sld [smem:$0x3FA7]  }
0x30: {  	s3 =	sld [smem:$0x3FAA]  }
0x31: {  	[smem:$0x3FB3] =	sst s10  }
0x32: {  	s10 =	sld [smem:$0x3FB1];
	_ =	sdelay $0x3  }
0x33: {  	p0 =	seq.s32 s10, $0x1;
	s10 =	sld [smem:$0x3FB3];
	_ =	sdelay $0x3  }
0x34: {  	[smem:$0x3FB3] =	sst s10  }
0x35: {  	s10 =	sld [smem:$0x3FB2];
	_ =	sdelay $0x3  }
0x36: {  	p1 =	seq.s32 s10, $0x1;
	s10 =	sld [smem:$0x3FB3];
	_ =	sdelay $0x3  }
0x37: {  	[smem:$0x3FB3] =	sst s10  }
0x38: {  	s10 =	sld [smem:$0x3FB4]  }
0x39: {  	_ = 	snop;
	(pc) =	sbr.ind lr, $3  }
0x3a: {  	_ = 	snop  }
0x3b: {  	_ = 	snop  }
0x3c: {  	p2 =	seq.s32 s10, $0x1;
	s10 =	sld [smem:$0x3FB3]  }
0x3d: {  	_ =	shalt  }
0x3e: {  	_ =	shalt  }
0x3f: {  	_ =	shalt  }
0x40: {  	_ =	shalt  }
0x41: {  	_ =	shalt  }
0x42: {  	_ =	shalt  }
0x43: {  	_ =	shalt  }
0x44: {  	_ =	shalt  }
0x45: {  	_ =	shalt  }
0x46: {  	_ =	shalt  }
0x47: {  	_ =	shalt  }
0x48: {  	_ =	shalt  }
0x49: {  	_ =	shalt  }
0x4a: {  	_ =	shalt  }
0x4b: {  	_ =	shalt  }
0x4c: {  	_ =	shalt  }
0x4d: {  	_ =	shalt  }
0x4e: {  	_ =	shalt  }
0x4f: {  	_ =	shalt  }
0x50: {  	_ =	shalt  }
0x51: {  	_ =	shalt  }
0x52: {  	_ =	shalt  }
0x53: {  	_ =	shalt  }
0x54: {  	_ =	shalt  }
0x55: {  	_ =	shalt  }
0x56: {  	_ =	shalt  }
0x57: {  	_ =	shalt  }
0x58: {  	_ =	shalt  }
0x59: {  	_ =	shalt  }
0x5a: {  	_ =	shalt  }
0x5b: {  	_ =	shalt  }
0x5c: {  	_ =	shalt  }
0x5d: {  	_ =	shalt  }
0x5e: {  	_ =	shalt  }
0x5f: {  	_ =	shalt  }
0x60: {  	_ =	shalt  }
0x61: {  	_ =	shalt  }
0x62: {  	_ =	shalt  }
0x63: {  	_ =	shalt  }
0x64: {  	_ =	shalt  }
0x65: {  	_ =	shalt  }
0x66: {  	_ =	shalt  }
0x67: {  	_ =	shalt  }
0x68: {  	_ =	shalt  }
0x69: {  	_ =	shalt  }
0x6a: {  	_ =	shalt  }
0x6b: {  	_ =	shalt  }
0x6c: {  	_ =	shalt  }
0x6d: {  	_ =	shalt  }
0x6e: {  	_ =	shalt  }
0x6f: {  	_ =	shalt  }
0x70: {  	_ =	shalt  }
0x71: {  	_ =	shalt  }
0x72: {  	_ =	shalt  }
0x73: {  	_ =	shalt  }
0x74: {  	_ =	shalt  }
0x75: {  	_ =	shalt  }
0x76: {  	_ =	shalt  }
0x77: {  	_ =	shalt  }
0x78: {  	_ =	shalt  }
0x79: {  	_ =	shalt  }
0x7a: {  	_ =	shalt  }
0x7b: {  	_ =	shalt  }
0x7c: {  	_ =	shalt  }
0x7d: {  	_ =	shalt  }
0x7e: {  	_ =	shalt  }
0x7f: {  	_ =	shalt  }
0x80: {  	_ =	shalt  }
0x81: {  	_ =	shalt  }
0x82: {  	_ =	shalt  }
0x83: {  	_ =	shalt  }
0x84: {  	_ =	shalt  }
0x85: {  	_ =	shalt  }
0x86: {  	_ =	shalt  }
0x87: {  	_ =	shalt  }
.Lfunc_end0:
.L_simem_size_0:
called_computation.1_lowered:
.L_overlay_start_0:
0x88: {  	s2 =	sld [smem:$0x3FD9]  }
0x89: {  	s3 =	sld [smem:$0x3FFE];
	_ =	sdelay $0x1  }
0x8a: {  	s1 =	srdreg.scid  }
0x8b: {  	s0 =	sand.u32 $0x1, s1  }
0x8c: {  	s15 =	sshll.u32 s0, $0xA;
	s2 =	sadd.s32 s3, s2  }
0x8d: {  	s2 =	sadd.s32 s2, s15  }
0x8e: {  	[smem:$0x3FBF] =	sst s2  }
0x8f: {  	_ = 	snop  }
0x90: {  	s2 =	sld [smem:$0x3FD0];
	_ =	sdelay $0x2  }
0x91: {  	s16 =	simm.s32 $0xB;
	s4 =	simm.s32 $0x10  }
0x92: {  	[smem:s4], [sflag:s16] =	dma.local [hbm:s2], $0x1  }
0x93: {  	_ =	swait.eq [sflag:s16], $0x1  }
0x94: {  	[sflag:s16] =	ssyncset.done $0x0  }
0x95: {  	[sflag:s16] =	ssyncadd.s32 $0xFFFFFFFF  }
0x96: {  	s17 =	sld [smem:$0x13];
	(tm) =	ssettm $0x1  }
0x97: {  	s18 =	sld [smem:$0x3FFB];
	_ =	sdelay $0x3  }
0x98: {  	_ =	strace s18  }
0x99: {  	s2 =	sld [smem:$0x3FFC];
	_ =	sdelay $0x3  }
0x9a: {  	_ =	strace s2  }
0x9b: {  	s2 =	sld [smem:$0x3FFD];
	_ =	sdelay $0x3  }
0x9c: {  	_ =	strace s2  }
0x9d: {  	_ =	strace $0x8FFFFFFF  }
0x9e: {  	s19 =	sld [smem:$0x3FDB];
	_ =	sdelay $0x1  }
0x9f: {  	s20 =	simm.s32 $_scs_section_size  }
0xa0: {  	s5 =	simm.s32 $_size__tile_overlayer_lowered;
	s6 =	simm.s32 $_tile_overlayer_lowered  }
0xa1: {  	s7 =	simm.s32 $0x1BFF;
	s21 =	sshll.u32 s6, $0x1;
	s4 =	sadd.s32 s20, s19  }
0xa2: {  	s22 =	simm.s32 $0x0;
	s5 =	sshll.u32 s5, $0x1;
	s6 =	sadd.s32 s21, s4  }
0xa3: {  	[timem:s22], [sflag:s7] =	dma.local [hbm:s6], s5  }
0xa4: {  	_ =	swait.ge [sflag:s7], s5  }
0xa5: {  	s5 =	ssub.s32 $0x0, s5;
	[sflag:s7] =	ssyncset.done $0x0  }
0xa6: {  	[sflag:s7] =	ssyncadd.s32 s5;
	_ =	sdelay $0x1  }
0xa7: {  	s23 =	simm.s32 $0x1B8B  }
0xa8: {  	_ =	swait.ge [sflag:s23], $0x1  }
0xa9: {  	[sflag:s23] =	ssyncset.done $0x0  }
0xaa: {  	[sflag:s23] =	ssyncadd.s32 $0xFFFFFFFF  }
0xab: {  	s5 =	sld [smem:$0x0]  }
0xac: {  	s6 =	sand.u32 $0xFFFFFFFE, s1  }
0xad: {  	p0 =	sne.s32 s1, s6  }
0xae: {  	s6 =	sshll.u32 @p0 s6, $0xE  }
0xaf: {  	s6 =	sadd.s32 @p0 $0x11B8D, s6;
	s7 =	sshll.u32 @p0 s5, $0x11  }
0xb0: {  	s6 =	sor.u32 @p0 s7, s6  }
0xb1: {  	[sflag:s6] =	ssyncadd.remote.s32 @p0 $0x1;
	_ =	sdelay $0x1  }
0xb2: {  	s6 =	simm.s32 @p0 $0x1B8D  }
0xb3: {  	_ =	swait.eq @p0 [sflag:s6], $0x1  }
0xb4: {  	[sflag:s6] =	ssyncadd.s32 @p0 $0xFFFFFFFF  }
0xb5: {  	s7 =	sshll.u32 @!p0 s1, $0xE  }
0xb6: {  	s7 =	sor.u32 @!p0 $0x4000, s7;
	s6 =	simm.s32 @!p0 $0x1B8D  }
0xb7: {  	s5 =	sshll.u32 @!p0 s5, $0x11;
	s7 =	sadd.s32 @!p0 $0x11B8D, s7;
	_ =	swait.eq @!p0 [sflag:s6], $0x1  }
0xb8: {  	s5 =	sor.u32 @!p0 s5, s7;
	[sflag:s6] =	ssyncadd.s32 @!p0 $0xFFFFFFFF  }
0xb9: {  	s25 =	simm.s32 $0x1B8E;
	s24 =	sld [smem:$0x3FFE];
	[sflag:s5] =	ssyncadd.remote.s32 @!p0 $0x1  }
0xba: {  	s26 =	simm.s32 $execute0_lowered;
	[smem:$0x3FD2] =	sst s25  }
0xbb: {  	s6 =	sshll.u32 s26, $0x1;
	_ =	strace $0x80000049;
	[dreg:$0x1] =	wrdreg $0xFFFFFFFF  }
0xbc: {  	s28 =	simm.s32 $_size_execute0_lowered;
	s4 =	sadd.s32 s4, s6;
	[dreg:$0x0] =	wrdreg $0x0  }
0xbd: {  	s6 =	sshll.u32 s28, $0x1;
	[dreg:$0x2] =	wrdreg s4  }
0xbe: {  	[dreg:$0x3] =	wrdreg s6  }
0xbf: {  	[dreg:$0x4] =	wrdreg $0xC0  }
0xc0: {  	_ =	task [dreg:s22], $0x5FFFF  }
0xc1: {  	[dreg:$0x1] =	wrdreg $0xFFFFFFFF  }
0xc2: {  	[dreg:$0x0] =	wrdreg $0x60  }
0xc3: {  	[dreg:$0x2] =	wrdreg s24  }
0xc4: {  	[dreg:$0x3] =	wrdreg s17  }
0xc5: {  	[dreg:$0x4] =	wrdreg $0xA  }
0xc6: {  	_ =	task.clear_ibuf [dreg:s22], $0x5FFFF;
	_ =	strace $0x90000049  }
0xc7: {  	s29 =	simm.s32 $0xA;
	_ =	strace $0x8000004B  }
0xc8: {  	_ =	swait.ge [sflag:s29], $0x1  }
0xc9: {  	[sflag:s29] =	ssyncadd.s32 $0xFFFFFFFF  }
0xca: {  	_ =	strace $0x9000004B  }
0xcb: {  	_ =	sfence  }
0xcc: {  	s30 =	sld [smem:$0x0];
	_ =	sdelay $0x2  }
0xcd: {  	s31 =	sshll.u32 s1, $0xD;
	s1 =	sshrl.u32 s1, $0x2  }
0xce: {  	s4 =	sand.u32 $0x4000, s31;
	s1 =	sadd.s32 s1, s30  }
0xcf: {  	s0 =	sor.u32 s4, s0;
	s1 =	sshll.u32 s1, $0x11  }
0xd0: {  	s0 =	sor.u32 s1, s0  }
0xd1: {  	s0 =	sadd.s32 $0x8F2B, s0  }
0xd2: {  	[sflag:s0] =	ssyncadd.remote.s32 $0x1  }
0xd3: {  	_ =	sfence.sel $0xFFFF  }
0xd4: {  	[dreg:$0x0] =	wrdreg $0xFFFFFFFF;
	(pc) =	sbr.abs _section_cstart, $3  }
0xd5: {  	[dreg:$0x1] =	wrdreg $0xFFFFFFFF  }
0xd6: {  	_ =	task.clear_ibuf [dreg:s22], $0x2FFFF;
	_ =	strace $0x9FFFFFFF  }
0xd7: {  	(tm) =	ssettm $0x7FFFFFFF  }
tec
execute0_lowered:
.L_overlay_start_1:
0x0: {  	(tag) =	ssettag $0x1  }
0x1: {  	s9 =	rddreg [dreg:$0x0]  }
0x2: {  	s3 =	rddreg [dreg:$0x1];
	s2 =	srdreg.scid  }
0x3: {  	s0 =	rddreg [dreg:$0x2];
	s1 =	stileid.u32  }
0x4: {  	s7 =	simm.s32 $0x80;
	s8 =	simm.s32 $0x1;
	s6 =	sand.u32 $0x1, s2  }
0x5: {  	s2 =	simm.s32 $0x0;
	s4 =	sshll.u32 s1, $0x4;
	s5 =	sshll.u32 s6, $0x3  }
0x6: {  	[smem:$0x7FF] =	sst s2;
	s11 =	ssub.s32 $0x2, s6;
	s10 =	sor.u32 s5, s4  }
0x7: {  	_ =	strace $0x8000004A;
	s4 =	sadd.s32 s3, s10;
	s3 =	simm.s32 $0x2  }
0x8: {  	[tilespmem:s2], [sflag:$0x2] =	stream.linear.gather [hbm4b:s4+s2], $0x40, $0x38;
	[tilespmem:$0x100] =	vst v63  }
0x9: {  	s6 =	simm.s32 $0x40;
	s12 =	sshrl.u32 s11, $0x1;
	_ =	swait.ge [sflag:s3], $0x40  }
0xa: {  	s5 =	sadd.s32 $0xA00, s9;
	s31 =	ssub.s32 s11, s12;
	[sflag:s3] =	ssyncset.done $0x0  }
0xb: {  	s9 =	sadd.s32 s10, s9;
	s10 =	smax.u32 s31, $0x1;
	[sflag:s3] =	ssyncadd.s32 $0xFFFFFFC0  }
0xc: {  	[tilespmem:s7], [sflag:$0x1] =	stream.indirect.gather [hbm4b:s5+s6], $0x1, s2, s6, $0xb8;
	[tilespmem:$0x100] =	vst v63  }
0xd: {  	p0 =	sne.s32 s10, $0x1;
	_ =	swait.ge [sflag:s8], $0x40  }
.Ltmp0:
0xe: {  	[sflag:s8] =	ssyncset.done $0x0;
	(pc) =	sbr.rel @!p0 .LBB2_2-.Ltmp0, $4  }
0xf: {  	s9 =	sadd.s32 $0x82A00, s9;
	[sflag:s8] =	ssyncadd.s32 $0xFFFFFFC0  }
0x10: {  	[hbm4b:s9+s2] =	stream.linear.scatter [tilespmem:s7], [sflag:$0x2], $0x40, $0x38;
	[tilespmem:$0x100] =	vst v63  }
0x11: {  	_ =	swait.ge [sflag:s3], $0x40  }
0x12: {  	s10 =	sadd.s32 $0xFFFFFFFF, s10;
	[sflag:s3] =	ssyncset.done $0x0  }
.LBB2_1:
0x13: {  	p0 =	sne.s32 s10, $0x1;
	s10 =	sadd.s32 $0xFFFFFFFF, s10;
	[sflag:s3] =	ssyncadd.s32 $0xFFFFFFC0  }
0x14: {  	[tilespmem:s2], [sflag:$0x2] =	stream.linear.gather [hbm4b:s4+s2], $0x40, $0x38;
	[tilespmem:$0x100] =	vst v63  }
0x15: {  	_ =	swait.ge [sflag:s3], $0x40  }
0x16: {  	[sflag:s3] =	ssyncset.done $0x0  }
0x17: {  	[sflag:s3] =	ssyncadd.s32 $0xFFFFFFC0  }
0x18: {  	[tilespmem:s7], [sflag:$0x1] =	stream.indirect.gather [hbm4b:s5+s6], $0x1, s2, s6, $0xb8;
	[tilespmem:$0x100] =	vst v63  }
0x19: {  	_ =	swait.ge [sflag:s8], $0x40  }
.Ltmp1:
0x1a: {  	[sflag:s8] =	ssyncset.done $0x0;
	(pc) =	sbr.rel @p0 .LBB2_1-.Ltmp1, $4  }
0x1b: {  	[sflag:s8] =	ssyncadd.s32 $0xFFFFFFC0  }
0x1c: {  	[hbm4b:s9+s2] =	stream.linear.scatter [tilespmem:s7], [sflag:$0x2], $0x40, $0x38;
	[tilespmem:$0x100] =	vst v63  }
0x1d: {  	_ =	swait.ge [sflag:s3], $0x40  }
0x1e: {  	[sflag:s3] =	ssyncset.done $0x0  }
.LBB2_2:
0x1f: {  	[sflag:s3] =	ssyncadd.s32 $0xFFFFFFC0  }
0x20: {  	_ =	sfence.sel $0x180000  }
0x21: {  	[bflag:$0x0] =	sbarrier.arrive $0xFFFF  }
0x22: {  	p0 =	sne.s32 s1, $0x0;
	_ =	strace $0x9000004A  }
0x23: {  	s0 =	sadd.s32 @!p0 $0x100000, s0;
	[bflag:$0x2] =	sbarrier.arrive $0xFFFF  }
0x24: {  	[sflag:s0] =	ssyncadd.tile.s32 @!p0 $0x1;
	_ =	shalt  }
.Lfunc_end2:
_tile_overlayer_lowered:
.L_overlay_start_2:
0x25: {  	(tag) =	ssettag $0x2  }
0x26: {  	s0 =	rddreg [dreg:$0x0];
	s2 =	stileid.u32  }
0x27: {  	s1 =	rddreg [dreg:$0x1];
	p0 =	sne.s32 s2, $0x0  }
0x28: {  	s3 =	rddreg [dreg:$0x2];
	[bflag:$0x3] =	sbarrier.arrive $0xFFFF;
	s2 =	simm.s32 @!p0 $0x1C02  }
0x29: {  	[timem:s3], [sflag:s2] =	dma.local @!p0 [hbm:s0], s1  }
0x2a: {  	s0 =	simm.s32 @!p0 $0x2  }
0x2b: {  	_ =	swait.ge @!p0 [sflag:s0], s1  }
0x2c: {  	s1 =	ssub.s32 @!p0 $0x0, s1;
	[sflag:s0] =	ssyncset.done @!p0 $0x0  }
0x2d: {  	[sflag:s0] =	ssyncadd.s32 @!p0 s1  }
0x2e: {  	[bflag:$0x3] =	sbarrier.arrive $0xFFFF  }
0x2f: {  	_ =	shalt  }

</sc_bundles>
